<compile_context>
chip_gen: v7x
topology: tpu7x:2x2x1
jax: 0.10.2.dev20260603
libtpu: 0.0.44.dev20260713+nightly
codegen_flags: <defaults>
</compile_context>

<pallas_src>
import functools

import jax
import jax.numpy as jnp
from jax import lax
from jax.experimental import pallas as pl
from jax.experimental.pallas import tpu as pltpu
from jax.experimental.pallas import tpu_sc as plsc

_NUM_DAYS = 366
_HIDDEN = 128
_BATCH = 4096
_HIST = 200
_N = _BATCH * _HIST
_NC = 2
_NS = 16
_NW = _NC * _NS
_BPW = _N // _NW
_CH = 128
_NCHUNK = _BPW // _CH
_NB = 6
_D = 3


def _make_gather():
    mesh = plsc.VectorSubcoreMesh(core_axis_name="c", subcore_axis_name="s")

    @functools.partial(
        pl.kernel,
        mesh=mesh,
        out_type=jax.ShapeDtypeStruct((_N, _HIDDEN), jnp.float32),
        scratch_types=[
            pltpu.VMEM((_NCHUNK, _CH), jnp.int32),
            pltpu.VMEM((_NB, _CH, _HIDDEN), jnp.float32),
            pltpu.VMEM_SHARED((_NUM_DAYS, _HIDDEN), jnp.float32),
        ]
        + [pltpu.SemaphoreType.DMA] * (2 * _NB),
    )
    def k(table_hbm, idx_hbm, out_hbm, idx_v, rows_v, table_sp, *sems):
        gsems = sems[:_NB]
        wsems = sems[_NB:]
        sid = lax.axis_index("s")
        wid = sid * _NC + lax.axis_index("c")
        base = wid * _BPW

        @pl.when(sid == 0)
        def _stage_table():
            pltpu.sync_copy(table_hbm, table_sp)

        pltpu.sync_copy(idx_hbm.at[pl.ds(wid * _NCHUNK, _NCHUNK)], idx_v)
        plsc.subcore_barrier()

        def gather_start(j, b):
            pltpu.async_copy(table_sp.at[idx_v.at[j]], rows_v.at[b], gsems[b])

        def gather_wait(j, b):
            pltpu.make_async_copy(
                table_sp.at[idx_v.at[j]], rows_v.at[b], gsems[b]
            ).wait()

        def write_start(j, b):
            pltpu.async_copy(
                rows_v.at[b], out_hbm.at[pl.ds(base + j * _CH, _CH)], wsems[b]
            )

        def write_wait(b):
            pltpu.make_async_copy(
                rows_v.at[b], out_hbm.at[pl.ds(base, _CH)], wsems[b]
            ).wait()

        for b in range(_D):
            gather_start(b, b)

        def group(g, carry):
            j0 = g * _NB
            for b in range(_NB):
                j = j0 + b
                gather_wait(j, b)
                write_start(j, b)

                jp = j0 + b + _D
                bp = (b + _D) % _NB

                @pl.when(jp < _NCHUNK)
                def _prefetch(jp=jp, bp=bp):
                    @pl.when(jp - _NB >= 0)
                    def _drain():
                        write_wait(bp)

                    gather_start(jp, bp)
            return carry

        ngroup = _NCHUNK // _NB
        lax.fori_loop(0, ngroup, group, 0)

        assert _NCHUNK - ngroup * _NB <= _D
        for r in range(ngroup * _NB, _NCHUNK):
            b = r % _NB
            gather_wait(r, b)
            write_start(r, b)

        for b in range(_NB):
            write_wait(b)

    return k


_gather = _make_gather()


def kernel(days, emb_weight):
    idx = days.reshape(_N // _CH, _CH)
    out = _gather(emb_weight, idx)
    return out.reshape(_BATCH, _HIST, _HIDDEN)

# --- scband reference (transcript-rebuilt; emitter-appended) ---
"""Pipeline reference for scband-day-embedding-3384434229577 (READ-ONLY COPY).

The authoritative reference and input builder live on the scoring server;
editing this copy changes nothing except your own understanding.
"""

import jax, jax.numpy as jnp
import numpy as np

NUM_DAYS = 366
HIDDEN = 128
BATCH = 4096
HIST = 200

def setup_inputs(seed: int = 0) -> dict:
    key = jax.random.key(seed)
    k_days, k_emb = jax.random.split(key)
    days = jax.random.randint(k_days, (BATCH, HIST), 0, NUM_DAYS, dtype=jnp.int64 if jax.config.jax_enable_x64 else jnp.int32).astype(jnp.int32)
    emb_weight = jax.random.normal(k_emb, (NUM_DAYS, HIDDEN), dtype=jnp.float32)
    return {"days": days, "emb_weight": emb_weight}

def reference(days, emb_weight):
    # nn.Embedding lookup: table[idx]
    return jnp.take(emb_weight, days, axis=0)

if __name__ == "__main__":
    import jax
    _d = setup_inputs()
    print(jax.jit(kernel)(*tuple(_d.values())))

</pallas_src>

<mosaic_0001>
#map = affine_map<(d0, d1) -> (0, 0)>
module attributes {stable_mosaic.version = 14 : i64} {
  func.func @k(%arg0: i32, %arg1: i32, %arg2: memref<366x128xf32, #tpu.memory_space<hbm>>, %arg3: memref<6400x128xi32, #tpu.memory_space<hbm>>, %arg4: memref<819200x128xf32, #tpu.memory_space<hbm>>, %arg5: memref<200x128xi32, #tpu.memory_space<vmem>>, %arg6: memref<6x128x128xf32, #tpu.memory_space<vmem>>, %arg7: memref<366x128xf32, #tpu.memory_space<vmem_shared>>, %arg8: memref<!tpu.dma_semaphore, #tpu.memory_space<semaphore_mem>>, %arg9: memref<!tpu.dma_semaphore, #tpu.memory_space<semaphore_mem>>, %arg10: memref<!tpu.dma_semaphore, #tpu.memory_space<semaphore_mem>>, %arg11: memref<!tpu.dma_semaphore, #tpu.memory_space<semaphore_mem>>, %arg12: memref<!tpu.dma_semaphore, #tpu.memory_space<semaphore_mem>>, %arg13: memref<!tpu.dma_semaphore, #tpu.memory_space<semaphore_mem>>, %arg14: memref<!tpu.dma_semaphore, #tpu.memory_space<semaphore_mem>>, %arg15: memref<!tpu.dma_semaphore, #tpu.memory_space<semaphore_mem>>, %arg16: memref<!tpu.dma_semaphore, #tpu.memory_space<semaphore_mem>>, %arg17: memref<!tpu.dma_semaphore, #tpu.memory_space<semaphore_mem>>, %arg18: memref<!tpu.dma_semaphore, #tpu.memory_space<semaphore_mem>>, %arg19: memref<!tpu.dma_semaphore, #tpu.memory_space<semaphore_mem>>) attributes {dimension_semantics = [#tpu.dimension_semantics<core_parallel>, #tpu.dimension_semantics<subcore_parallel>], iteration_bounds = array<i64: 2, 16>, scalar_prefetch = 0 : i64, scratch_operands = 15 : i64, tpu.core_type = #tpu.core_type<sc_vector_subcore>, window_params = [{transform_indices = #map}, {transform_indices = #map}, {transform_indices = #map}]} {
    %mul3A = arith.constant 2 : i32
    %mul3A_0 = arith.muli %arg1, %mul3A : i32
    %add3A = arith.addi %mul3A_0, %arg0 : i32
    %mul3A_1 = arith.constant 25600 : i32
    %mul3A_2 = arith.muli %add3A, %mul3A_1 : i32
    %eq3A = arith.constant 0 : i32
    %eq3A_3 = arith.cmpi eq, %arg1, %eq3A : i32
    %convert_element_type3A = arith.extui %eq3A_3 : i1 to i32
    %cond3A = arith.constant 0 : i32
    %cond3A_4 = arith.cmpi ne, %convert_element_type3A, %cond3A : i32
    scf.if %cond3A_4 {
      "tpu.region"() ({
        %run_scoped3A = tpu.sem_alloc : memref<!tpu.dma_semaphore, #tpu.memory_space<semaphore_mem>>
        tpu.enqueue_dma source(%arg2 : memref<366x128xf32, #tpu.memory_space<hbm>>) target(%arg7 : memref<366x128xf32, #tpu.memory_space<vmem_shared>>) target_semaphore(%run_scoped3A : memref<!tpu.dma_semaphore, #tpu.memory_space<semaphore_mem>>)
        tpu.wait_dma2 semaphore(%run_scoped3A : memref<!tpu.dma_semaphore, #tpu.memory_space<semaphore_mem>>) src(%arg2 : memref<366x128xf32, #tpu.memory_space<hbm>>) dst(%arg7 : memref<366x128xf32, #tpu.memory_space<vmem_shared>>)
        tpu.yield
      }) : () -> ()
    } else {
    }
    %mul3A_5 = arith.constant 200 : i32
    %mul3A_6 = arith.muli %add3A, %mul3A_5 : i32
    "tpu.region"() ({
      %run_scoped3A = tpu.sem_alloc : memref<!tpu.dma_semaphore, #tpu.memory_space<semaphore_mem>>
      %dma_start3A_178 = arith.constant 0 : i32
      %dma_start3A_179 = tpu.memref_slice %arg3[%mul3A_6, %dma_start3A_178] : memref<6400x128xi32, #tpu.memory_space<hbm>> -> memref<200x128xi32, #tpu.memory_space<hbm>>
      %dma_start3A_180 = arith.constant 0 : i32
      %dma_start3A_181 = tpu.memref_slice %arg3[%mul3A_6, %dma_start3A_180] : memref<6400x128xi32, #tpu.memory_space<hbm>> -> memref<200x128xi32, #tpu.memory_space<hbm>>
      tpu.enqueue_dma source(%dma_start3A_181 : memref<200x128xi32, #tpu.memory_space<hbm>>) target(%arg5 : memref<200x128xi32, #tpu.memory_space<vmem>>) target_semaphore(%run_scoped3A : memref<!tpu.dma_semaphore, #tpu.memory_space<semaphore_mem>>)
      %dma_wait3A_182 = arith.constant 0 : i32
      %dma_wait3A_183 = tpu.memref_slice %arg3[%mul3A_6, %dma_wait3A_182] : memref<6400x128xi32, #tpu.memory_space<hbm>> -> memref<200x128xi32, #tpu.memory_space<hbm>>
      %dma_wait3A_184 = arith.constant 0 : i32
      %dma_wait3A_185 = tpu.memref_slice %arg3[%mul3A_6, %dma_wait3A_184] : memref<6400x128xi32, #tpu.memory_space<hbm>> -> memref<200x128xi32, #tpu.memory_space<hbm>>
      tpu.wait_dma2 semaphore(%run_scoped3A : memref<!tpu.dma_semaphore, #tpu.memory_space<semaphore_mem>>) src(%dma_wait3A_185 : memref<200x128xi32, #tpu.memory_space<hbm>>) dst(%arg5 : memref<200x128xi32, #tpu.memory_space<vmem>>)
      tpu.yield
    }) : () -> ()
    %barrier3A = arith.constant 0 : index
    tpu.barrier barrier_id(%barrier3A)
    %dma_start3A = arith.constant 0 : i32
    %dma_start3A_7 = arith.constant 0 : i32
    %dma_start3A_8 = arith.constant 0 : i32
    %dma_start3A_9 = arith.constant 0 : i32
    %dma_start3A_10 = tpu.memref_slice %arg6[%dma_start3A_7, %dma_start3A_8, %dma_start3A_9] : memref<6x128x128xf32, #tpu.memory_space<vmem>> -> memref<1x128x128xf32, #tpu.memory_space<vmem>>
    %dma_start3A_11 = tpu.memref_squeeze %dma_start3A_10 : memref<1x128x128xf32, #tpu.memory_space<vmem>> -> memref<128x128xf32, #tpu.memory_space<vmem>>
    %dma_start3A_12 = arith.constant 0 : i32
    %dma_start3A_13 = tpu.memref_slice %arg5[%dma_start3A, %dma_start3A_12] : memref<200x128xi32, #tpu.memory_space<vmem>> -> memref<1x128xi32, #tpu.memory_space<vmem>>
    %dma_start3A_14 = tpu.memref_squeeze %dma_start3A_13 : memref<1x128xi32, #tpu.memory_space<vmem>> -> memref<128xi32, #tpu.memory_space<vmem>>
    %dma_start3A_15 = arith.constant 0 : i32
    %dma_start3A_16 = arith.constant 0 : i32
    %dma_start3A_17 = tpu.memref_slice %arg7[%dma_start3A_15, %dma_start3A_16] : memref<366x128xf32, #tpu.memory_space<vmem_shared>> -> memref<366x128xf32, #tpu.memory_space<vmem_shared>>
    tpu.enqueue_indirect_dma source(%dma_start3A_17 : memref<366x128xf32, #tpu.memory_space<vmem_shared>>) target(%dma_start3A_11 : memref<128x128xf32, #tpu.memory_space<vmem>>) offsets(%dma_start3A_14 : memref<128xi32, #tpu.memory_space<vmem>>) semaphore(%arg8 : memref<!tpu.dma_semaphore, #tpu.memory_space<semaphore_mem>>)
    %dma_start3A_18 = arith.constant 1 : i32
    %dma_start3A_19 = arith.constant 1 : i32
    %dma_start3A_20 = arith.constant 0 : i32
    %dma_start3A_21 = arith.constant 0 : i32
    %dma_start3A_22 = tpu.memref_slice %arg6[%dma_start3A_19, %dma_start3A_20, %dma_start3A_21] : memref<6x128x128xf32, #tpu.memory_space<vmem>> -> memref<1x128x128xf32, #tpu.memory_space<vmem>>
    %dma_start3A_23 = tpu.memref_squeeze %dma_start3A_22 : memref<1x128x128xf32, #tpu.memory_space<vmem>> -> memref<128x128xf32, #tpu.memory_space<vmem>>
    %dma_start3A_24 = arith.constant 0 : i32
    %dma_start3A_25 = tpu.memref_slice %arg5[%dma_start3A_18, %dma_start3A_24] : memref<200x128xi32, #tpu.memory_space<vmem>> -> memref<1x128xi32, #tpu.memory_space<vmem>>
    %dma_start3A_26 = tpu.memref_squeeze %dma_start3A_25 : memref<1x128xi32, #tpu.memory_space<vmem>> -> memref<128xi32, #tpu.memory_space<vmem>>
    %dma_start3A_27 = arith.constant 0 : i32
    %dma_start3A_28 = arith.constant 0 : i32
    %dma_start3A_29 = tpu.memref_slice %arg7[%dma_start3A_27, %dma_start3A_28] : memref<366x128xf32, #tpu.memory_space<vmem_shared>> -> memref<366x128xf32, #tpu.memory_space<vmem_shared>>
    tpu.enqueue_indirect_dma source(%dma_start3A_29 : memref<366x128xf32, #tpu.memory_space<vmem_shared>>) target(%dma_start3A_23 : memref<128x128xf32, #tpu.memory_space<vmem>>) offsets(%dma_start3A_26 : memref<128xi32, #tpu.memory_space<vmem>>) semaphore(%arg9 : memref<!tpu.dma_semaphore, #tpu.memory_space<semaphore_mem>>)
    %dma_start3A_30 = arith.constant 2 : i32
    %dma_start3A_31 = arith.constant 2 : i32
    %dma_start3A_32 = arith.constant 0 : i32
    %dma_start3A_33 = arith.constant 0 : i32
    %dma_start3A_34 = tpu.memref_slice %arg6[%dma_start3A_31, %dma_start3A_32, %dma_start3A_33] : memref<6x128x128xf32, #tpu.memory_space<vmem>> -> memref<1x128x128xf32, #tpu.memory_space<vmem>>
    %dma_start3A_35 = tpu.memref_squeeze %dma_start3A_34 : memref<1x128x128xf32, #tpu.memory_space<vmem>> -> memref<128x128xf32, #tpu.memory_space<vmem>>
    %dma_start3A_36 = arith.constant 0 : i32
    %dma_start3A_37 = tpu.memref_slice %arg5[%dma_start3A_30, %dma_start3A_36] : memref<200x128xi32, #tpu.memory_space<vmem>> -> memref<1x128xi32, #tpu.memory_space<vmem>>
    %dma_start3A_38 = tpu.memref_squeeze %dma_start3A_37 : memref<1x128xi32, #tpu.memory_space<vmem>> -> memref<128xi32, #tpu.memory_space<vmem>>
    %dma_start3A_39 = arith.constant 0 : i32
    %dma_start3A_40 = arith.constant 0 : i32
    %dma_start3A_41 = tpu.memref_slice %arg7[%dma_start3A_39, %dma_start3A_40] : memref<366x128xf32, #tpu.memory_space<vmem_shared>> -> memref<366x128xf32, #tpu.memory_space<vmem_shared>>
    tpu.enqueue_indirect_dma source(%dma_start3A_41 : memref<366x128xf32, #tpu.memory_space<vmem_shared>>) target(%dma_start3A_35 : memref<128x128xf32, #tpu.memory_space<vmem>>) offsets(%dma_start3A_38 : memref<128xi32, #tpu.memory_space<vmem>>) semaphore(%arg10 : memref<!tpu.dma_semaphore, #tpu.memory_space<semaphore_mem>>)
    %scan3A = arith.constant 0 : i32
    %scan3A_42 = arith.constant 0 : i32
    %scan3A_43 = arith.constant 33 : i32
    %scan3A_44 = arith.addi %scan3A_42, %scan3A_43 : i32
    %scan3A_45 = arith.constant 1 : i32
    scf.for %scan3A_178 = %scan3A_42 to %scan3A_44 step %scan3A_45  : i32 {
      %mul3A_179 = arith.constant 6 : i32
      %mul3A_180 = arith.muli %scan3A_178, %mul3A_179 : i32
      %add3A_181 = arith.constant 0 : i32
      %add3A_182 = arith.addi %mul3A_180, %add3A_181 : i32
      %dma_wait3A_183 = arith.constant 0 : i32
      %dma_wait3A_184 = arith.constant 0 : i32
      %dma_wait3A_185 = arith.constant 0 : i32
      %dma_wait3A_186 = tpu.memref_slice %arg6[%dma_wait3A_183, %dma_wait3A_184, %dma_wait3A_185] : memref<6x128x128xf32, #tpu.memory_space<vmem>> -> memref<1x128x128xf32, #tpu.memory_space<vmem>>
      %dma_wait3A_187 = tpu.memref_squeeze %dma_wait3A_186 : memref<1x128x128xf32, #tpu.memory_space<vmem>> -> memref<128x128xf32, #tpu.memory_space<vmem>>
      %dma_wait3A_188 = arith.constant 0 : i32
      %dma_wait3A_189 = tpu.memref_slice %arg5[%add3A_182, %dma_wait3A_188] : memref<200x128xi32, #tpu.memory_space<vmem>> -> memref<1x128xi32, #tpu.memory_space<vmem>>
      %dma_wait3A_190 = tpu.memref_squeeze %dma_wait3A_189 : memref<1x128xi32, #tpu.memory_space<vmem>> -> memref<128xi32, #tpu.memory_space<vmem>>
      %dma_wait3A_191 = arith.constant 0 : i32
      %dma_wait3A_192 = arith.constant 0 : i32
      %dma_wait3A_193 = tpu.memref_slice %arg7[%dma_wait3A_191, %dma_wait3A_192] : memref<366x128xf32, #tpu.memory_space<vmem_shared>> -> memref<366x128xf32, #tpu.memory_space<vmem_shared>>
      tpu.wait_indirect_dma semaphore(%arg8 : memref<!tpu.dma_semaphore, #tpu.memory_space<semaphore_mem>>) src(%dma_wait3A_193 : memref<366x128xf32, #tpu.memory_space<vmem_shared>>) dst(%dma_wait3A_187 : memref<128x128xf32, #tpu.memory_space<vmem>>)
      %mul3A_194 = arith.constant 128 : i32
      %mul3A_195 = arith.muli %add3A_182, %mul3A_194 : i32
      %add3A_196 = arith.addi %mul3A_2, %mul3A_195 : i32
      %dma_start3A_197 = arith.constant 0 : i32
      %dma_start3A_198 = arith.constant 0 : i32
      %dma_start3A_199 = arith.constant 0 : i32
      %dma_start3A_200 = tpu.memref_slice %arg6[%dma_start3A_197, %dma_start3A_198, %dma_start3A_199] : memref<6x128x128xf32, #tpu.memory_space<vmem>> -> memref<1x128x128xf32, #tpu.memory_space<vmem>>
      %dma_start3A_201 = tpu.memref_squeeze %dma_start3A_200 : memref<1x128x128xf32, #tpu.memory_space<vmem>> -> memref<128x128xf32, #tpu.memory_space<vmem>>
      %dma_start3A_202 = arith.constant 0 : i32
      %dma_start3A_203 = tpu.memref_slice %arg4[%add3A_196, %dma_start3A_202] : memref<819200x128xf32, #tpu.memory_space<hbm>> -> memref<128x128xf32, #tpu.memory_space<hbm>>
      %dma_start3A_204 = arith.constant 0 : i32
      %dma_start3A_205 = tpu.memref_slice %arg4[%add3A_196, %dma_start3A_204] : memref<819200x128xf32, #tpu.memory_space<hbm>> -> memref<128x128xf32, #tpu.memory_space<hbm>>
      %dma_start3A_206 = arith.constant 0 : i32
      %dma_start3A_207 = arith.constant 0 : i32
      %dma_start3A_208 = tpu.memref_slice %arg6[%dma_start3A_197, %dma_start3A_206, %dma_start3A_207] : memref<6x128x128xf32, #tpu.memory_space<vmem>> -> memref<1x128x128xf32, #tpu.memory_space<vmem>>
      %dma_start3A_209 = tpu.memref_squeeze %dma_start3A_208 : memref<1x128x128xf32, #tpu.memory_space<vmem>> -> memref<128x128xf32, #tpu.memory_space<vmem>>
      tpu.enqueue_dma source(%dma_start3A_209 : memref<128x128xf32, #tpu.memory_space<vmem>>) target(%dma_start3A_205 : memref<128x128xf32, #tpu.memory_space<hbm>>) target_semaphore(%arg14 : memref<!tpu.dma_semaphore, #tpu.memory_space<semaphore_mem>>)
      %add3A_210 = arith.constant 0 : i32
      %add3A_211 = arith.addi %mul3A_180, %add3A_210 : i32
      %add3A_212 = arith.constant 3 : i32
      %add3A_213 = arith.addi %add3A_211, %add3A_212 : i32
      %lt3A = arith.constant 200 : i32
      %lt3A_214 = arith.cmpi slt, %add3A_213, %lt3A : i32
      %convert_element_type3A_215 = arith.extui %lt3A_214 : i1 to i32
      %cond3A_216 = arith.constant 0 : i32
      %cond3A_217 = arith.cmpi ne, %convert_element_type3A_215, %cond3A_216 : i32
      scf.if %cond3A_217 {
        %sub3A = arith.constant 6 : i32
        %sub3A_408 = arith.subi %add3A_213, %sub3A : i32
        %ge3A = arith.constant 0 : i32
        %ge3A_409 = arith.cmpi sge, %sub3A_408, %ge3A : i32
        %convert_element_type3A_410 = arith.extui %ge3A_409 : i1 to i32
        %cond3A_411 = arith.constant 0 : i32
        %cond3A_412 = arith.cmpi ne, %convert_element_type3A_410, %cond3A_411 : i32
        scf.if %cond3A_412 {
          %dma_wait3A_424 = arith.constant 3 : i32
          %dma_wait3A_425 = arith.constant 0 : i32
          %dma_wait3A_426 = arith.constant 0 : i32
          %dma_wait3A_427 = tpu.memref_slice %arg6[%dma_wait3A_424, %dma_wait3A_425, %dma_wait3A_426] : memref<6x128x128xf32, #tpu.memory_space<vmem>> -> memref<1x128x128xf32, #tpu.memory_space<vmem>>
          %dma_wait3A_428 = tpu.memref_squeeze %dma_wait3A_427 : memref<1x128x128xf32, #tpu.memory_space<vmem>> -> memref<128x128xf32, #tpu.memory_space<vmem>>
          %dma_wait3A_429 = arith.constant 0 : i32
          %dma_wait3A_430 = tpu.memref_slice %arg4[%mul3A_2, %dma_wait3A_429] : memref<819200x128xf32, #tpu.memory_space<hbm>> -> memref<128x128xf32, #tpu.memory_space<hbm>>
          %dma_wait3A_431 = arith.constant 0 : i32
          %dma_wait3A_432 = tpu.memref_slice %arg4[%mul3A_2, %dma_wait3A_431] : memref<819200x128xf32, #tpu.memory_space<hbm>> -> memref<128x128xf32, #tpu.memory_space<hbm>>
          %dma_wait3A_433 = arith.constant 0 : i32
          %dma_wait3A_434 = arith.constant 0 : i32
          %dma_wait3A_435 = tpu.memref_slice %arg6[%dma_wait3A_424, %dma_wait3A_433, %dma_wait3A_434] : memref<6x128x128xf32, #tpu.memory_space<vmem>> -> memref<1x128x128xf32, #tpu.memory_space<vmem>>
          %dma_wait3A_436 = tpu.memref_squeeze %dma_wait3A_435 : memref<1x128x128xf32, #tpu.memory_space<vmem>> -> memref<128x128xf32, #tpu.memory_space<vmem>>
          tpu.wait_dma2 semaphore(%arg17 : memref<!tpu.dma_semaphore, #tpu.memory_space<semaphore_mem>>) src(%dma_wait3A_436 : memref<128x128xf32, #tpu.memory_space<vmem>>) dst(%dma_wait3A_432 : memref<128x128xf32, #tpu.memory_space<hbm>>)
        } else {
        }
        %dma_start3A_413 = arith.constant 3 : i32
        %dma_start3A_414 = arith.constant 0 : i32
        %dma_start3A_415 = arith.constant 0 : i32
        %dma_start3A_416 = tpu.memref_slice %arg6[%dma_start3A_413, %dma_start3A_414, %dma_start3A_415] : memref<6x128x128xf32, #tpu.memory_space<vmem>> -> memref<1x128x128xf32, #tpu.memory_space<vmem>>
        %dma_start3A_417 = tpu.memref_squeeze %dma_start3A_416 : memref<1x128x128xf32, #tpu.memory_space<vmem>> -> memref<128x128xf32, #tpu.memory_space<vmem>>
        %dma_start3A_418 = arith.constant 0 : i32
        %dma_start3A_419 = tpu.memref_slice %arg5[%add3A_213, %dma_start3A_418] : memref<200x128xi32, #tpu.memory_space<vmem>> -> memref<1x128xi32, #tpu.memory_space<vmem>>
        %dma_start3A_420 = tpu.memref_squeeze %dma_start3A_419 : memref<1x128xi32, #tpu.memory_space<vmem>> -> memref<128xi32, #tpu.memory_space<vmem>>
        %dma_start3A_421 = arith.constant 0 : i32
        %dma_start3A_422 = arith.constant 0 : i32
        %dma_start3A_423 = tpu.memref_slice %arg7[%dma_start3A_421, %dma_start3A_422] : memref<366x128xf32, #tpu.memory_space<vmem_shared>> -> memref<366x128xf32, #tpu.memory_space<vmem_shared>>
        tpu.enqueue_indirect_dma source(%dma_start3A_423 : memref<366x128xf32, #tpu.memory_space<vmem_shared>>) target(%dma_start3A_417 : memref<128x128xf32, #tpu.memory_space<vmem>>) offsets(%dma_start3A_420 : memref<128xi32, #tpu.memory_space<vmem>>) semaphore(%arg11 : memref<!tpu.dma_semaphore, #tpu.memory_space<semaphore_mem>>)
      } else {
      }
      %add3A_218 = arith.constant 1 : i32
      %add3A_219 = arith.addi %mul3A_180, %add3A_218 : i32
      %dma_wait3A_220 = arith.constant 1 : i32
      %dma_wait3A_221 = arith.constant 0 : i32
      %dma_wait3A_222 = arith.constant 0 : i32
      %dma_wait3A_223 = tpu.memref_slice %arg6[%dma_wait3A_220, %dma_wait3A_221, %dma_wait3A_222] : memref<6x128x128xf32, #tpu.memory_space<vmem>> -> memref<1x128x128xf32, #tpu.memory_space<vmem>>
      %dma_wait3A_224 = tpu.memref_squeeze %dma_wait3A_223 : memref<1x128x128xf32, #tpu.memory_space<vmem>> -> memref<128x128xf32, #tpu.memory_space<vmem>>
      %dma_wait3A_225 = arith.constant 0 : i32
      %dma_wait3A_226 = tpu.memref_slice %arg5[%add3A_219, %dma_wait3A_225] : memref<200x128xi32, #tpu.memory_space<vmem>> -> memref<1x128xi32, #tpu.memory_space<vmem>>
      %dma_wait3A_227 = tpu.memref_squeeze %dma_wait3A_226 : memref<1x128xi32, #tpu.memory_space<vmem>> -> memref<128xi32, #tpu.memory_space<vmem>>
      %dma_wait3A_228 = arith.constant 0 : i32
      %dma_wait3A_229 = arith.constant 0 : i32
      %dma_wait3A_230 = tpu.memref_slice %arg7[%dma_wait3A_228, %dma_wait3A_229] : memref<366x128xf32, #tpu.memory_space<vmem_shared>> -> memref<366x128xf32, #tpu.memory_space<vmem_shared>>
      tpu.wait_indirect_dma semaphore(%arg9 : memref<!tpu.dma_semaphore, #tpu.memory_space<semaphore_mem>>) src(%dma_wait3A_230 : memref<366x128xf32, #tpu.memory_space<vmem_shared>>) dst(%dma_wait3A_224 : memref<128x128xf32, #tpu.memory_space<vmem>>)
      %mul3A_231 = arith.constant 128 : i32
      %mul3A_232 = arith.muli %add3A_219, %mul3A_231 : i32
      %add3A_233 = arith.addi %mul3A_2, %mul3A_232 : i32
      %dma_start3A_234 = arith.constant 1 : i32
      %dma_start3A_235 = arith.constant 0 : i32
      %dma_start3A_236 = arith.constant 0 : i32
      %dma_start3A_237 = tpu.memref_slice %arg6[%dma_start3A_234, %dma_start3A_235, %dma_start3A_236] : memref<6x128x128xf32, #tpu.memory_space<vmem>> -> memref<1x128x128xf32, #tpu.memory_space<vmem>>
      %dma_start3A_238 = tpu.memref_squeeze %dma_start3A_237 : memref<1x128x128xf32, #tpu.memory_space<vmem>> -> memref<128x128xf32, #tpu.memory_space<vmem>>
      %dma_start3A_239 = arith.constant 0 : i32
      %dma_start3A_240 = tpu.memref_slice %arg4[%add3A_233, %dma_start3A_239] : memref<819200x128xf32, #tpu.memory_space<hbm>> -> memref<128x128xf32, #tpu.memory_space<hbm>>
      %dma_start3A_241 = arith.constant 0 : i32
      %dma_start3A_242 = tpu.memref_slice %arg4[%add3A_233, %dma_start3A_241] : memref<819200x128xf32, #tpu.memory_space<hbm>> -> memref<128x128xf32, #tpu.memory_space<hbm>>
      %dma_start3A_243 = arith.constant 0 : i32
      %dma_start3A_244 = arith.constant 0 : i32
      %dma_start3A_245 = tpu.memref_slice %arg6[%dma_start3A_234, %dma_start3A_243, %dma_start3A_244] : memref<6x128x128xf32, #tpu.memory_space<vmem>> -> memref<1x128x128xf32, #tpu.memory_space<vmem>>
      %dma_start3A_246 = tpu.memref_squeeze %dma_start3A_245 : memref<1x128x128xf32, #tpu.memory_space<vmem>> -> memref<128x128xf32, #tpu.memory_space<vmem>>
      tpu.enqueue_dma source(%dma_start3A_246 : memref<128x128xf32, #tpu.memory_space<vmem>>) target(%dma_start3A_242 : memref<128x128xf32, #tpu.memory_space<hbm>>) target_semaphore(%arg15 : memref<!tpu.dma_semaphore, #tpu.memory_space<semaphore_mem>>)
      %add3A_247 = arith.constant 1 : i32
      %add3A_248 = arith.addi %mul3A_180, %add3A_247 : i32
      %add3A_249 = arith.constant 3 : i32
      %add3A_250 = arith.addi %add3A_248, %add3A_249 : i32
      %lt3A_251 = arith.constant 200 : i32
      %lt3A_252 = arith.cmpi slt, %add3A_250, %lt3A_251 : i32
      %convert_element_type3A_253 = arith.extui %lt3A_252 : i1 to i32
      %cond3A_254 = arith.constant 0 : i32
      %cond3A_255 = arith.cmpi ne, %convert_element_type3A_253, %cond3A_254 : i32
      scf.if %cond3A_255 {
        %sub3A = arith.constant 6 : i32
        %sub3A_408 = arith.subi %add3A_250, %sub3A : i32
        %ge3A = arith.constant 0 : i32
        %ge3A_409 = arith.cmpi sge, %sub3A_408, %ge3A : i32
        %convert_element_type3A_410 = arith.extui %ge3A_409 : i1 to i32
        %cond3A_411 = arith.constant 0 : i32
        %cond3A_412 = arith.cmpi ne, %convert_element_type3A_410, %cond3A_411 : i32
        scf.if %cond3A_412 {
          %dma_wait3A_424 = arith.constant 4 : i32
          %dma_wait3A_425 = arith.constant 0 : i32
          %dma_wait3A_426 = arith.constant 0 : i32
          %dma_wait3A_427 = tpu.memref_slice %arg6[%dma_wait3A_424, %dma_wait3A_425, %dma_wait3A_426] : memref<6x128x128xf32, #tpu.memory_space<vmem>> -> memref<1x128x128xf32, #tpu.memory_space<vmem>>
          %dma_wait3A_428 = tpu.memref_squeeze %dma_wait3A_427 : memref<1x128x128xf32, #tpu.memory_space<vmem>> -> memref<128x128xf32, #tpu.memory_space<vmem>>
          %dma_wait3A_429 = arith.constant 0 : i32
          %dma_wait3A_430 = tpu.memref_slice %arg4[%mul3A_2, %dma_wait3A_429] : memref<819200x128xf32, #tpu.memory_space<hbm>> -> memref<128x128xf32, #tpu.memory_space<hbm>>
          %dma_wait3A_431 = arith.constant 0 : i32
          %dma_wait3A_432 = tpu.memref_slice %arg4[%mul3A_2, %dma_wait3A_431] : memref<819200x128xf32, #tpu.memory_space<hbm>> -> memref<128x128xf32, #tpu.memory_space<hbm>>
          %dma_wait3A_433 = arith.constant 0 : i32
          %dma_wait3A_434 = arith.constant 0 : i32
          %dma_wait3A_435 = tpu.memref_slice %arg6[%dma_wait3A_424, %dma_wait3A_433, %dma_wait3A_434] : memref<6x128x128xf32, #tpu.memory_space<vmem>> -> memref<1x128x128xf32, #tpu.memory_space<vmem>>
          %dma_wait3A_436 = tpu.memref_squeeze %dma_wait3A_435 : memref<1x128x128xf32, #tpu.memory_space<vmem>> -> memref<128x128xf32, #tpu.memory_space<vmem>>
          tpu.wait_dma2 semaphore(%arg18 : memref<!tpu.dma_semaphore, #tpu.memory_space<semaphore_mem>>) src(%dma_wait3A_436 : memref<128x128xf32, #tpu.memory_space<vmem>>) dst(%dma_wait3A_432 : memref<128x128xf32, #tpu.memory_space<hbm>>)
        } else {
        }
        %dma_start3A_413 = arith.constant 4 : i32
        %dma_start3A_414 = arith.constant 0 : i32
        %dma_start3A_415 = arith.constant 0 : i32
        %dma_start3A_416 = tpu.memref_slice %arg6[%dma_start3A_413, %dma_start3A_414, %dma_start3A_415] : memref<6x128x128xf32, #tpu.memory_space<vmem>> -> memref<1x128x128xf32, #tpu.memory_space<vmem>>
        %dma_start3A_417 = tpu.memref_squeeze %dma_start3A_416 : memref<1x128x128xf32, #tpu.memory_space<vmem>> -> memref<128x128xf32, #tpu.memory_space<vmem>>
        %dma_start3A_418 = arith.constant 0 : i32
        %dma_start3A_419 = tpu.memref_slice %arg5[%add3A_250, %dma_start3A_418] : memref<200x128xi32, #tpu.memory_space<vmem>> -> memref<1x128xi32, #tpu.memory_space<vmem>>
        %dma_start3A_420 = tpu.memref_squeeze %dma_start3A_419 : memref<1x128xi32, #tpu.memory_space<vmem>> -> memref<128xi32, #tpu.memory_space<vmem>>
        %dma_start3A_421 = arith.constant 0 : i32
        %dma_start3A_422 = arith.constant 0 : i32
        %dma_start3A_423 = tpu.memref_slice %arg7[%dma_start3A_421, %dma_start3A_422] : memref<366x128xf32, #tpu.memory_space<vmem_shared>> -> memref<366x128xf32, #tpu.memory_space<vmem_shared>>
        tpu.enqueue_indirect_dma source(%dma_start3A_423 : memref<366x128xf32, #tpu.memory_space<vmem_shared>>) target(%dma_start3A_417 : memref<128x128xf32, #tpu.memory_space<vmem>>) offsets(%dma_start3A_420 : memref<128xi32, #tpu.memory_space<vmem>>) semaphore(%arg12 : memref<!tpu.dma_semaphore, #tpu.memory_space<semaphore_mem>>)
      } else {
      }
      %add3A_256 = arith.constant 2 : i32
      %add3A_257 = arith.addi %mul3A_180, %add3A_256 : i32
      %dma_wait3A_258 = arith.constant 2 : i32
      %dma_wait3A_259 = arith.constant 0 : i32
      %dma_wait3A_260 = arith.constant 0 : i32
      %dma_wait3A_261 = tpu.memref_slice %arg6[%dma_wait3A_258, %dma_wait3A_259, %dma_wait3A_260] : memref<6x128x128xf32, #tpu.memory_space<vmem>> -> memref<1x128x128xf32, #tpu.memory_space<vmem>>
      %dma_wait3A_262 = tpu.memref_squeeze %dma_wait3A_261 : memref<1x128x128xf32, #tpu.memory_space<vmem>> -> memref<128x128xf32, #tpu.memory_space<vmem>>
      %dma_wait3A_263 = arith.constant 0 : i32
      %dma_wait3A_264 = tpu.memref_slice %arg5[%add3A_257, %dma_wait3A_263] : memref<200x128xi32, #tpu.memory_space<vmem>> -> memref<1x128xi32, #tpu.memory_space<vmem>>
      %dma_wait3A_265 = tpu.memref_squeeze %dma_wait3A_264 : memref<1x128xi32, #tpu.memory_space<vmem>> -> memref<128xi32, #tpu.memory_space<vmem>>
      %dma_wait3A_266 = arith.constant 0 : i32
      %dma_wait3A_267 = arith.constant 0 : i32
      %dma_wait3A_268 = tpu.memref_slice %arg7[%dma_wait3A_266, %dma_wait3A_267] : memref<366x128xf32, #tpu.memory_space<vmem_shared>> -> memref<366x128xf32, #tpu.memory_space<vmem_shared>>
      tpu.wait_indirect_dma semaphore(%arg10 : memref<!tpu.dma_semaphore, #tpu.memory_space<semaphore_mem>>) src(%dma_wait3A_268 : memref<366x128xf32, #tpu.memory_space<vmem_shared>>) dst(%dma_wait3A_262 : memref<128x128xf32, #tpu.memory_space<vmem>>)
      %mul3A_269 = arith.constant 128 : i32
      %mul3A_270 = arith.muli %add3A_257, %mul3A_269 : i32
      %add3A_271 = arith.addi %mul3A_2, %mul3A_270 : i32
      %dma_start3A_272 = arith.constant 2 : i32
      %dma_start3A_273 = arith.constant 0 : i32
      %dma_start3A_274 = arith.constant 0 : i32
      %dma_start3A_275 = tpu.memref_slice %arg6[%dma_start3A_272, %dma_start3A_273, %dma_start3A_274] : memref<6x128x128xf32, #tpu.memory_space<vmem>> -> memref<1x128x128xf32, #tpu.memory_space<vmem>>
      %dma_start3A_276 = tpu.memref_squeeze %dma_start3A_275 : memref<1x128x128xf32, #tpu.memory_space<vmem>> -> memref<128x128xf32, #tpu.memory_space<vmem>>
      %dma_start3A_277 = arith.constant 0 : i32
      %dma_start3A_278 = tpu.memref_slice %arg4[%add3A_271, %dma_start3A_277] : memref<819200x128xf32, #tpu.memory_space<hbm>> -> memref<128x128xf32, #tpu.memory_space<hbm>>
      %dma_start3A_279 = arith.constant 0 : i32
      %dma_start3A_280 = tpu.memref_slice %arg4[%add3A_271, %dma_start3A_279] : memref<819200x128xf32, #tpu.memory_space<hbm>> -> memref<128x128xf32, #tpu.memory_space<hbm>>
      %dma_start3A_281 = arith.constant 0 : i32
      %dma_start3A_282 = arith.constant 0 : i32
      %dma_start3A_283 = tpu.memref_slice %arg6[%dma_start3A_272, %dma_start3A_281, %dma_start3A_282] : memref<6x128x128xf32, #tpu.memory_space<vmem>> -> memref<1x128x128xf32, #tpu.memory_space<vmem>>
      %dma_start3A_284 = tpu.memref_squeeze %dma_start3A_283 : memref<1x128x128xf32, #tpu.memory_space<vmem>> -> memref<128x128xf32, #tpu.memory_space<vmem>>
      tpu.enqueue_dma source(%dma_start3A_284 : memref<128x128xf32, #tpu.memory_space<vmem>>) target(%dma_start3A_280 : memref<128x128xf32, #tpu.memory_space<hbm>>) target_semaphore(%arg16 : memref<!tpu.dma_semaphore, #tpu.memory_space<semaphore_mem>>)
      %add3A_285 = arith.constant 2 : i32
      %add3A_286 = arith.addi %mul3A_180, %add3A_285 : i32
      %add3A_287 = arith.constant 3 : i32
      %add3A_288 = arith.addi %add3A_286, %add3A_287 : i32
      %lt3A_289 = arith.constant 200 : i32
      %lt3A_290 = arith.cmpi slt, %add3A_288, %lt3A_289 : i32
      %convert_element_type3A_291 = arith.extui %lt3A_290 : i1 to i32
      %cond3A_292 = arith.constant 0 : i32
      %cond3A_293 = arith.cmpi ne, %convert_element_type3A_291, %cond3A_292 : i32
      scf.if %cond3A_293 {
        %sub3A = arith.constant 6 : i32
        %sub3A_408 = arith.subi %add3A_288, %sub3A : i32
        %ge3A = arith.constant 0 : i32
        %ge3A_409 = arith.cmpi sge, %sub3A_408, %ge3A : i32
        %convert_element_type3A_410 = arith.extui %ge3A_409 : i1 to i32
        %cond3A_411 = arith.constant 0 : i32
        %cond3A_412 = arith.cmpi ne, %convert_element_type3A_410, %cond3A_411 : i32
        scf.if %cond3A_412 {
          %dma_wait3A_424 = arith.constant 5 : i32
          %dma_wait3A_425 = arith.constant 0 : i32
          %dma_wait3A_426 = arith.constant 0 : i32
          %dma_wait3A_427 = tpu.memref_slice %arg6[%dma_wait3A_424, %dma_wait3A_425, %dma_wait3A_426] : memref<6x128x128xf32, #tpu.memory_space<vmem>> -> memref<1x128x128xf32, #tpu.memory_space<vmem>>
          %dma_wait3A_428 = tpu.memref_squeeze %dma_wait3A_427 : memref<1x128x128xf32, #tpu.memory_space<vmem>> -> memref<128x128xf32, #tpu.memory_space<vmem>>
          %dma_wait3A_429 = arith.constant 0 : i32
          %dma_wait3A_430 = tpu.memref_slice %arg4[%mul3A_2, %dma_wait3A_429] : memref<819200x128xf32, #tpu.memory_space<hbm>> -> memref<128x128xf32, #tpu.memory_space<hbm>>
          %dma_wait3A_431 = arith.constant 0 : i32
          %dma_wait3A_432 = tpu.memref_slice %arg4[%mul3A_2, %dma_wait3A_431] : memref<819200x128xf32, #tpu.memory_space<hbm>> -> memref<128x128xf32, #tpu.memory_space<hbm>>
          %dma_wait3A_433 = arith.constant 0 : i32
          %dma_wait3A_434 = arith.constant 0 : i32
          %dma_wait3A_435 = tpu.memref_slice %arg6[%dma_wait3A_424, %dma_wait3A_433, %dma_wait3A_434] : memref<6x128x128xf32, #tpu.memory_space<vmem>> -> memref<1x128x128xf32, #tpu.memory_space<vmem>>
          %dma_wait3A_436 = tpu.memref_squeeze %dma_wait3A_435 : memref<1x128x128xf32, #tpu.memory_space<vmem>> -> memref<128x128xf32, #tpu.memory_space<vmem>>
          tpu.wait_dma2 semaphore(%arg19 : memref<!tpu.dma_semaphore, #tpu.memory_space<semaphore_mem>>) src(%dma_wait3A_436 : memref<128x128xf32, #tpu.memory_space<vmem>>) dst(%dma_wait3A_432 : memref<128x128xf32, #tpu.memory_space<hbm>>)
        } else {
        }
        %dma_start3A_413 = arith.constant 5 : i32
        %dma_start3A_414 = arith.constant 0 : i32
        %dma_start3A_415 = arith.constant 0 : i32
        %dma_start3A_416 = tpu.memref_slice %arg6[%dma_start3A_413, %dma_start3A_414, %dma_start3A_415] : memref<6x128x128xf32, #tpu.memory_space<vmem>> -> memref<1x128x128xf32, #tpu.memory_space<vmem>>
        %dma_start3A_417 = tpu.memref_squeeze %dma_start3A_416 : memref<1x128x128xf32, #tpu.memory_space<vmem>> -> memref<128x128xf32, #tpu.memory_space<vmem>>
        %dma_start3A_418 = arith.constant 0 : i32
        %dma_start3A_419 = tpu.memref_slice %arg5[%add3A_288, %dma_start3A_418] : memref<200x128xi32, #tpu.memory_space<vmem>> -> memref<1x128xi32, #tpu.memory_space<vmem>>
        %dma_start3A_420 = tpu.memref_squeeze %dma_start3A_419 : memref<1x128xi32, #tpu.memory_space<vmem>> -> memref<128xi32, #tpu.memory_space<vmem>>
        %dma_start3A_421 = arith.constant 0 : i32
        %dma_start3A_422 = arith.constant 0 : i32
        %dma_start3A_423 = tpu.memref_slice %arg7[%dma_start3A_421, %dma_start3A_422] : memref<366x128xf32, #tpu.memory_space<vmem_shared>> -> memref<366x128xf32, #tpu.memory_space<vmem_shared>>
        tpu.enqueue_indirect_dma source(%dma_start3A_423 : memref<366x128xf32, #tpu.memory_space<vmem_shared>>) target(%dma_start3A_417 : memref<128x128xf32, #tpu.memory_space<vmem>>) offsets(%dma_start3A_420 : memref<128xi32, #tpu.memory_space<vmem>>) semaphore(%arg13 : memref<!tpu.dma_semaphore, #tpu.memory_space<semaphore_mem>>)
      } else {
      }
      %add3A_294 = arith.constant 3 : i32
      %add3A_295 = arith.addi %mul3A_180, %add3A_294 : i32
      %dma_wait3A_296 = arith.constant 3 : i32
      %dma_wait3A_297 = arith.constant 0 : i32
      %dma_wait3A_298 = arith.constant 0 : i32
      %dma_wait3A_299 = tpu.memref_slice %arg6[%dma_wait3A_296, %dma_wait3A_297, %dma_wait3A_298] : memref<6x128x128xf32, #tpu.memory_space<vmem>> -> memref<1x128x128xf32, #tpu.memory_space<vmem>>
      %dma_wait3A_300 = tpu.memref_squeeze %dma_wait3A_299 : memref<1x128x128xf32, #tpu.memory_space<vmem>> -> memref<128x128xf32, #tpu.memory_space<vmem>>
      %dma_wait3A_301 = arith.constant 0 : i32
      %dma_wait3A_302 = tpu.memref_slice %arg5[%add3A_295, %dma_wait3A_301] : memref<200x128xi32, #tpu.memory_space<vmem>> -> memref<1x128xi32, #tpu.memory_space<vmem>>
      %dma_wait3A_303 = tpu.memref_squeeze %dma_wait3A_302 : memref<1x128xi32, #tpu.memory_space<vmem>> -> memref<128xi32, #tpu.memory_space<vmem>>
      %dma_wait3A_304 = arith.constant 0 : i32
      %dma_wait3A_305 = arith.constant 0 : i32
      %dma_wait3A_306 = tpu.memref_slice %arg7[%dma_wait3A_304, %dma_wait3A_305] : memref<366x128xf32, #tpu.memory_space<vmem_shared>> -> memref<366x128xf32, #tpu.memory_space<vmem_shared>>
      tpu.wait_indirect_dma semaphore(%arg11 : memref<!tpu.dma_semaphore, #tpu.memory_space<semaphore_mem>>) src(%dma_wait3A_306 : memref<366x128xf32, #tpu.memory_space<vmem_shared>>) dst(%dma_wait3A_300 : memref<128x128xf32, #tpu.memory_space<vmem>>)
      %mul3A_307 = arith.constant 128 : i32
      %mul3A_308 = arith.muli %add3A_295, %mul3A_307 : i32
      %add3A_309 = arith.addi %mul3A_2, %mul3A_308 : i32
      %dma_start3A_310 = arith.constant 3 : i32
      %dma_start3A_311 = arith.constant 0 : i32
      %dma_start3A_312 = arith.constant 0 : i32
      %dma_start3A_313 = tpu.memref_slice %arg6[%dma_start3A_310, %dma_start3A_311, %dma_start3A_312] : memref<6x128x128xf32, #tpu.memory_space<vmem>> -> memref<1x128x128xf32, #tpu.memory_space<vmem>>
      %dma_start3A_314 = tpu.memref_squeeze %dma_start3A_313 : memref<1x128x128xf32, #tpu.memory_space<vmem>> -> memref<128x128xf32, #tpu.memory_space<vmem>>
      %dma_start3A_315 = arith.constant 0 : i32
      %dma_start3A_316 = tpu.memref_slice %arg4[%add3A_309, %dma_start3A_315] : memref<819200x128xf32, #tpu.memory_space<hbm>> -> memref<128x128xf32, #tpu.memory_space<hbm>>
      %dma_start3A_317 = arith.constant 0 : i32
      %dma_start3A_318 = tpu.memref_slice %arg4[%add3A_309, %dma_start3A_317] : memref<819200x128xf32, #tpu.memory_space<hbm>> -> memref<128x128xf32, #tpu.memory_space<hbm>>
      %dma_start3A_319 = arith.constant 0 : i32
      %dma_start3A_320 = arith.constant 0 : i32
      %dma_start3A_321 = tpu.memref_slice %arg6[%dma_start3A_310, %dma_start3A_319, %dma_start3A_320] : memref<6x128x128xf32, #tpu.memory_space<vmem>> -> memref<1x128x128xf32, #tpu.memory_space<vmem>>
      %dma_start3A_322 = tpu.memref_squeeze %dma_start3A_321 : memref<1x128x128xf32, #tpu.memory_space<vmem>> -> memref<128x128xf32, #tpu.memory_space<vmem>>
      tpu.enqueue_dma source(%dma_start3A_322 : memref<128x128xf32, #tpu.memory_space<vmem>>) target(%dma_start3A_318 : memref<128x128xf32, #tpu.memory_space<hbm>>) target_semaphore(%arg17 : memref<!tpu.dma_semaphore, #tpu.memory_space<semaphore_mem>>)
      %add3A_323 = arith.constant 3 : i32
      %add3A_324 = arith.addi %mul3A_180, %add3A_323 : i32
      %add3A_325 = arith.constant 3 : i32
      %add3A_326 = arith.addi %add3A_324, %add3A_325 : i32
      %lt3A_327 = arith.constant 200 : i32
      %lt3A_328 = arith.cmpi slt, %add3A_326, %lt3A_327 : i32
      %convert_element_type3A_329 = arith.extui %lt3A_328 : i1 to i32
      %cond3A_330 = arith.constant 0 : i32
      %cond3A_331 = arith.cmpi ne, %convert_element_type3A_329, %cond3A_330 : i32
      scf.if %cond3A_331 {
        %sub3A = arith.constant 6 : i32
        %sub3A_408 = arith.subi %add3A_326, %sub3A : i32
        %ge3A = arith.constant 0 : i32
        %ge3A_409 = arith.cmpi sge, %sub3A_408, %ge3A : i32
        %convert_element_type3A_410 = arith.extui %ge3A_409 : i1 to i32
        %cond3A_411 = arith.constant 0 : i32
        %cond3A_412 = arith.cmpi ne, %convert_element_type3A_410, %cond3A_411 : i32
        scf.if %cond3A_412 {
          %dma_wait3A_424 = arith.constant 0 : i32
          %dma_wait3A_425 = arith.constant 0 : i32
          %dma_wait3A_426 = arith.constant 0 : i32
          %dma_wait3A_427 = tpu.memref_slice %arg6[%dma_wait3A_424, %dma_wait3A_425, %dma_wait3A_426] : memref<6x128x128xf32, #tpu.memory_space<vmem>> -> memref<1x128x128xf32, #tpu.memory_space<vmem>>
          %dma_wait3A_428 = tpu.memref_squeeze %dma_wait3A_427 : memref<1x128x128xf32, #tpu.memory_space<vmem>> -> memref<128x128xf32, #tpu.memory_space<vmem>>
          %dma_wait3A_429 = arith.constant 0 : i32
          %dma_wait3A_430 = tpu.memref_slice %arg4[%mul3A_2, %dma_wait3A_429] : memref<819200x128xf32, #tpu.memory_space<hbm>> -> memref<128x128xf32, #tpu.memory_space<hbm>>
          %dma_wait3A_431 = arith.constant 0 : i32
          %dma_wait3A_432 = tpu.memref_slice %arg4[%mul3A_2, %dma_wait3A_431] : memref<819200x128xf32, #tpu.memory_space<hbm>> -> memref<128x128xf32, #tpu.memory_space<hbm>>
          %dma_wait3A_433 = arith.constant 0 : i32
          %dma_wait3A_434 = arith.constant 0 : i32
          %dma_wait3A_435 = tpu.memref_slice %arg6[%dma_wait3A_424, %dma_wait3A_433, %dma_wait3A_434] : memref<6x128x128xf32, #tpu.memory_space<vmem>> -> memref<1x128x128xf32, #tpu.memory_space<vmem>>
          %dma_wait3A_436 = tpu.memref_squeeze %dma_wait3A_435 : memref<1x128x128xf32, #tpu.memory_space<vmem>> -> memref<128x128xf32, #tpu.memory_space<vmem>>
          tpu.wait_dma2 semaphore(%arg14 : memref<!tpu.dma_semaphore, #tpu.memory_space<semaphore_mem>>) src(%dma_wait3A_436 : memref<128x128xf32, #tpu.memory_space<vmem>>) dst(%dma_wait3A_432 : memref<128x128xf32, #tpu.memory_space<hbm>>)
        } else {
        }
        %dma_start3A_413 = arith.constant 0 : i32
        %dma_start3A_414 = arith.constant 0 : i32
        %dma_start3A_415 = arith.constant 0 : i32
        %dma_start3A_416 = tpu.memref_slice %arg6[%dma_start3A_413, %dma_start3A_414, %dma_start3A_415] : memref<6x128x128xf32, #tpu.memory_space<vmem>> -> memref<1x128x128xf32, #tpu.memory_space<vmem>>
        %dma_start3A_417 = tpu.memref_squeeze %dma_start3A_416 : memref<1x128x128xf32, #tpu.memory_space<vmem>> -> memref<128x128xf32, #tpu.memory_space<vmem>>
        %dma_start3A_418 = arith.constant 0 : i32
        %dma_start3A_419 = tpu.memref_slice %arg5[%add3A_326, %dma_start3A_418] : memref<200x128xi32, #tpu.memory_space<vmem>> -> memref<1x128xi32, #tpu.memory_space<vmem>>
        %dma_start3A_420 = tpu.memref_squeeze %dma_start3A_419 : memref<1x128xi32, #tpu.memory_space<vmem>> -> memref<128xi32, #tpu.memory_space<vmem>>
        %dma_start3A_421 = arith.constant 0 : i32
        %dma_start3A_422 = arith.constant 0 : i32
        %dma_start3A_423 = tpu.memref_slice %arg7[%dma_start3A_421, %dma_start3A_422] : memref<366x128xf32, #tpu.memory_space<vmem_shared>> -> memref<366x128xf32, #tpu.memory_space<vmem_shared>>
        tpu.enqueue_indirect_dma source(%dma_start3A_423 : memref<366x128xf32, #tpu.memory_space<vmem_shared>>) target(%dma_start3A_417 : memref<128x128xf32, #tpu.memory_space<vmem>>) offsets(%dma_start3A_420 : memref<128xi32, #tpu.memory_space<vmem>>) semaphore(%arg8 : memref<!tpu.dma_semaphore, #tpu.memory_space<semaphore_mem>>)
      } else {
      }
      %add3A_332 = arith.constant 4 : i32
      %add3A_333 = arith.addi %mul3A_180, %add3A_332 : i32
      %dma_wait3A_334 = arith.constant 4 : i32
      %dma_wait3A_335 = arith.constant 0 : i32
      %dma_wait3A_336 = arith.constant 0 : i32
      %dma_wait3A_337 = tpu.memref_slice %arg6[%dma_wait3A_334, %dma_wait3A_335, %dma_wait3A_336] : memref<6x128x128xf32, #tpu.memory_space<vmem>> -> memref<1x128x128xf32, #tpu.memory_space<vmem>>
      %dma_wait3A_338 = tpu.memref_squeeze %dma_wait3A_337 : memref<1x128x128xf32, #tpu.memory_space<vmem>> -> memref<128x128xf32, #tpu.memory_space<vmem>>
      %dma_wait3A_339 = arith.constant 0 : i32
      %dma_wait3A_340 = tpu.memref_slice %arg5[%add3A_333, %dma_wait3A_339] : memref<200x128xi32, #tpu.memory_space<vmem>> -> memref<1x128xi32, #tpu.memory_space<vmem>>
      %dma_wait3A_341 = tpu.memref_squeeze %dma_wait3A_340 : memref<1x128xi32, #tpu.memory_space<vmem>> -> memref<128xi32, #tpu.memory_space<vmem>>
      %dma_wait3A_342 = arith.constant 0 : i32
      %dma_wait3A_343 = arith.constant 0 : i32
      %dma_wait3A_344 = tpu.memref_slice %arg7[%dma_wait3A_342, %dma_wait3A_343] : memref<366x128xf32, #tpu.memory_space<vmem_shared>> -> memref<366x128xf32, #tpu.memory_space<vmem_shared>>
      tpu.wait_indirect_dma semaphore(%arg12 : memref<!tpu.dma_semaphore, #tpu.memory_space<semaphore_mem>>) src(%dma_wait3A_344 : memref<366x128xf32, #tpu.memory_space<vmem_shared>>) dst(%dma_wait3A_338 : memref<128x128xf32, #tpu.memory_space<vmem>>)
      %mul3A_345 = arith.constant 128 : i32
      %mul3A_346 = arith.muli %add3A_333, %mul3A_345 : i32
      %add3A_347 = arith.addi %mul3A_2, %mul3A_346 : i32
      %dma_start3A_348 = arith.constant 4 : i32
      %dma_start3A_349 = arith.constant 0 : i32
      %dma_start3A_350 = arith.constant 0 : i32
      %dma_start3A_351 = tpu.memref_slice %arg6[%dma_start3A_348, %dma_start3A_349, %dma_start3A_350] : memref<6x128x128xf32, #tpu.memory_space<vmem>> -> memref<1x128x128xf32, #tpu.memory_space<vmem>>
      %dma_start3A_352 = tpu.memref_squeeze %dma_start3A_351 : memref<1x128x128xf32, #tpu.memory_space<vmem>> -> memref<128x128xf32, #tpu.memory_space<vmem>>
      %dma_start3A_353 = arith.constant 0 : i32
      %dma_start3A_354 = tpu.memref_slice %arg4[%add3A_347, %dma_start3A_353] : memref<819200x128xf32, #tpu.memory_space<hbm>> -> memref<128x128xf32, #tpu.memory_space<hbm>>
      %dma_start3A_355 = arith.constant 0 : i32
      %dma_start3A_356 = tpu.memref_slice %arg4[%add3A_347, %dma_start3A_355] : memref<819200x128xf32, #tpu.memory_space<hbm>> -> memref<128x128xf32, #tpu.memory_space<hbm>>
      %dma_start3A_357 = arith.constant 0 : i32
      %dma_start3A_358 = arith.constant 0 : i32
      %dma_start3A_359 = tpu.memref_slice %arg6[%dma_start3A_348, %dma_start3A_357, %dma_start3A_358] : memref<6x128x128xf32, #tpu.memory_space<vmem>> -> memref<1x128x128xf32, #tpu.memory_space<vmem>>
      %dma_start3A_360 = tpu.memref_squeeze %dma_start3A_359 : memref<1x128x128xf32, #tpu.memory_space<vmem>> -> memref<128x128xf32, #tpu.memory_space<vmem>>
      tpu.enqueue_dma source(%dma_start3A_360 : memref<128x128xf32, #tpu.memory_space<vmem>>) target(%dma_start3A_356 : memref<128x128xf32, #tpu.memory_space<hbm>>) target_semaphore(%arg18 : memref<!tpu.dma_semaphore, #tpu.memory_space<semaphore_mem>>)
      %add3A_361 = arith.constant 4 : i32
      %add3A_362 = arith.addi %mul3A_180, %add3A_361 : i32
      %add3A_363 = arith.constant 3 : i32
      %add3A_364 = arith.addi %add3A_362, %add3A_363 : i32
      %lt3A_365 = arith.constant 200 : i32
      %lt3A_366 = arith.cmpi slt, %add3A_364, %lt3A_365 : i32
      %convert_element_type3A_367 = arith.extui %lt3A_366 : i1 to i32
      %cond3A_368 = arith.constant 0 : i32
      %cond3A_369 = arith.cmpi ne, %convert_element_type3A_367, %cond3A_368 : i32
      scf.if %cond3A_369 {
        %sub3A = arith.constant 6 : i32
        %sub3A_408 = arith.subi %add3A_364, %sub3A : i32
        %ge3A = arith.constant 0 : i32
        %ge3A_409 = arith.cmpi sge, %sub3A_408, %ge3A : i32
        %convert_element_type3A_410 = arith.extui %ge3A_409 : i1 to i32
        %cond3A_411 = arith.constant 0 : i32
        %cond3A_412 = arith.cmpi ne, %convert_element_type3A_410, %cond3A_411 : i32
        scf.if %cond3A_412 {
          %dma_wait3A_424 = arith.constant 1 : i32
          %dma_wait3A_425 = arith.constant 0 : i32
          %dma_wait3A_426 = arith.constant 0 : i32
          %dma_wait3A_427 = tpu.memref_slice %arg6[%dma_wait3A_424, %dma_wait3A_425, %dma_wait3A_426] : memref<6x128x128xf32, #tpu.memory_space<vmem>> -> memref<1x128x128xf32, #tpu.memory_space<vmem>>
          %dma_wait3A_428 = tpu.memref_squeeze %dma_wait3A_427 : memref<1x128x128xf32, #tpu.memory_space<vmem>> -> memref<128x128xf32, #tpu.memory_space<vmem>>
          %dma_wait3A_429 = arith.constant 0 : i32
          %dma_wait3A_430 = tpu.memref_slice %arg4[%mul3A_2, %dma_wait3A_429] : memref<819200x128xf32, #tpu.memory_space<hbm>> -> memref<128x128xf32, #tpu.memory_space<hbm>>
          %dma_wait3A_431 = arith.constant 0 : i32
          %dma_wait3A_432 = tpu.memref_slice %arg4[%mul3A_2, %dma_wait3A_431] : memref<819200x128xf32, #tpu.memory_space<hbm>> -> memref<128x128xf32, #tpu.memory_space<hbm>>
          %dma_wait3A_433 = arith.constant 0 : i32
          %dma_wait3A_434 = arith.constant 0 : i32
          %dma_wait3A_435 = tpu.memref_slice %arg6[%dma_wait3A_424, %dma_wait3A_433, %dma_wait3A_434] : memref<6x128x128xf32, #tpu.memory_space<vmem>> -> memref<1x128x128xf32, #tpu.memory_space<vmem>>
          %dma_wait3A_436 = tpu.memref_squeeze %dma_wait3A_435 : memref<1x128x128xf32, #tpu.memory_space<vmem>> -> memref<128x128xf32, #tpu.memory_space<vmem>>
          tpu.wait_dma2 semaphore(%arg15 : memref<!tpu.dma_semaphore, #tpu.memory_space<semaphore_mem>>) src(%dma_wait3A_436 : memref<128x128xf32, #tpu.memory_space<vmem>>) dst(%dma_wait3A_432 : memref<128x128xf32, #tpu.memory_space<hbm>>)
        } else {
        }
        %dma_start3A_413 = arith.constant 1 : i32
        %dma_start3A_414 = arith.constant 0 : i32
        %dma_start3A_415 = arith.constant 0 : i32
        %dma_start3A_416 = tpu.memref_slice %arg6[%dma_start3A_413, %dma_start3A_414, %dma_start3A_415] : memref<6x128x128xf32, #tpu.memory_space<vmem>> -> memref<1x128x128xf32, #tpu.memory_space<vmem>>
        %dma_start3A_417 = tpu.memref_squeeze %dma_start3A_416 : memref<1x128x128xf32, #tpu.memory_space<vmem>> -> memref<128x128xf32, #tpu.memory_space<vmem>>
        %dma_start3A_418 = arith.constant 0 : i32
        %dma_start3A_419 = tpu.memref_slice %arg5[%add3A_364, %dma_start3A_418] : memref<200x128xi32, #tpu.memory_space<vmem>> -> memref<1x128xi32, #tpu.memory_space<vmem>>
        %dma_start3A_420 = tpu.memref_squeeze %dma_start3A_419 : memref<1x128xi32, #tpu.memory_space<vmem>> -> memref<128xi32, #tpu.memory_space<vmem>>
        %dma_start3A_421 = arith.constant 0 : i32
        %dma_start3A_422 = arith.constant 0 : i32
        %dma_start3A_423 = tpu.memref_slice %arg7[%dma_start3A_421, %dma_start3A_422] : memref<366x128xf32, #tpu.memory_space<vmem_shared>> -> memref<366x128xf32, #tpu.memory_space<vmem_shared>>
        tpu.enqueue_indirect_dma source(%dma_start3A_423 : memref<366x128xf32, #tpu.memory_space<vmem_shared>>) target(%dma_start3A_417 : memref<128x128xf32, #tpu.memory_space<vmem>>) offsets(%dma_start3A_420 : memref<128xi32, #tpu.memory_space<vmem>>) semaphore(%arg9 : memref<!tpu.dma_semaphore, #tpu.memory_space<semaphore_mem>>)
      } else {
      }
      %add3A_370 = arith.constant 5 : i32
      %add3A_371 = arith.addi %mul3A_180, %add3A_370 : i32
      %dma_wait3A_372 = arith.constant 5 : i32
      %dma_wait3A_373 = arith.constant 0 : i32
      %dma_wait3A_374 = arith.constant 0 : i32
      %dma_wait3A_375 = tpu.memref_slice %arg6[%dma_wait3A_372, %dma_wait3A_373, %dma_wait3A_374] : memref<6x128x128xf32, #tpu.memory_space<vmem>> -> memref<1x128x128xf32, #tpu.memory_space<vmem>>
      %dma_wait3A_376 = tpu.memref_squeeze %dma_wait3A_375 : memref<1x128x128xf32, #tpu.memory_space<vmem>> -> memref<128x128xf32, #tpu.memory_space<vmem>>
      %dma_wait3A_377 = arith.constant 0 : i32
      %dma_wait3A_378 = tpu.memref_slice %arg5[%add3A_371, %dma_wait3A_377] : memref<200x128xi32, #tpu.memory_space<vmem>> -> memref<1x128xi32, #tpu.memory_space<vmem>>
      %dma_wait3A_379 = tpu.memref_squeeze %dma_wait3A_378 : memref<1x128xi32, #tpu.memory_space<vmem>> -> memref<128xi32, #tpu.memory_space<vmem>>
      %dma_wait3A_380 = arith.constant 0 : i32
      %dma_wait3A_381 = arith.constant 0 : i32
      %dma_wait3A_382 = tpu.memref_slice %arg7[%dma_wait3A_380, %dma_wait3A_381] : memref<366x128xf32, #tpu.memory_space<vmem_shared>> -> memref<366x128xf32, #tpu.memory_space<vmem_shared>>
      tpu.wait_indirect_dma semaphore(%arg13 : memref<!tpu.dma_semaphore, #tpu.memory_space<semaphore_mem>>) src(%dma_wait3A_382 : memref<366x128xf32, #tpu.memory_space<vmem_shared>>) dst(%dma_wait3A_376 : memref<128x128xf32, #tpu.memory_space<vmem>>)
      %mul3A_383 = arith.constant 128 : i32
      %mul3A_384 = arith.muli %add3A_371, %mul3A_383 : i32
      %add3A_385 = arith.addi %mul3A_2, %mul3A_384 : i32
      %dma_start3A_386 = arith.constant 5 : i32
      %dma_start3A_387 = arith.constant 0 : i32
      %dma_start3A_388 = arith.constant 0 : i32
      %dma_start3A_389 = tpu.memref_slice %arg6[%dma_start3A_386, %dma_start3A_387, %dma_start3A_388] : memref<6x128x128xf32, #tpu.memory_space<vmem>> -> memref<1x128x128xf32, #tpu.memory_space<vmem>>
      %dma_start3A_390 = tpu.memref_squeeze %dma_start3A_389 : memref<1x128x128xf32, #tpu.memory_space<vmem>> -> memref<128x128xf32, #tpu.memory_space<vmem>>
      %dma_start3A_391 = arith.constant 0 : i32
      %dma_start3A_392 = tpu.memref_slice %arg4[%add3A_385, %dma_start3A_391] : memref<819200x128xf32, #tpu.memory_space<hbm>> -> memref<128x128xf32, #tpu.memory_space<hbm>>
      %dma_start3A_393 = arith.constant 0 : i32
      %dma_start3A_394 = tpu.memref_slice %arg4[%add3A_385, %dma_start3A_393] : memref<819200x128xf32, #tpu.memory_space<hbm>> -> memref<128x128xf32, #tpu.memory_space<hbm>>
      %dma_start3A_395 = arith.constant 0 : i32
      %dma_start3A_396 = arith.constant 0 : i32
      %dma_start3A_397 = tpu.memref_slice %arg6[%dma_start3A_386, %dma_start3A_395, %dma_start3A_396] : memref<6x128x128xf32, #tpu.memory_space<vmem>> -> memref<1x128x128xf32, #tpu.memory_space<vmem>>
      %dma_start3A_398 = tpu.memref_squeeze %dma_start3A_397 : memref<1x128x128xf32, #tpu.memory_space<vmem>> -> memref<128x128xf32, #tpu.memory_space<vmem>>
      tpu.enqueue_dma source(%dma_start3A_398 : memref<128x128xf32, #tpu.memory_space<vmem>>) target(%dma_start3A_394 : memref<128x128xf32, #tpu.memory_space<hbm>>) target_semaphore(%arg19 : memref<!tpu.dma_semaphore, #tpu.memory_space<semaphore_mem>>)
      %add3A_399 = arith.constant 5 : i32
      %add3A_400 = arith.addi %mul3A_180, %add3A_399 : i32
      %add3A_401 = arith.constant 3 : i32
      %add3A_402 = arith.addi %add3A_400, %add3A_401 : i32
      %lt3A_403 = arith.constant 200 : i32
      %lt3A_404 = arith.cmpi slt, %add3A_402, %lt3A_403 : i32
      %convert_element_type3A_405 = arith.extui %lt3A_404 : i1 to i32
      %cond3A_406 = arith.constant 0 : i32
      %cond3A_407 = arith.cmpi ne, %convert_element_type3A_405, %cond3A_406 : i32
      scf.if %cond3A_407 {
        %sub3A = arith.constant 6 : i32
        %sub3A_408 = arith.subi %add3A_402, %sub3A : i32
        %ge3A = arith.constant 0 : i32
        %ge3A_409 = arith.cmpi sge, %sub3A_408, %ge3A : i32
        %convert_element_type3A_410 = arith.extui %ge3A_409 : i1 to i32
        %cond3A_411 = arith.constant 0 : i32
        %cond3A_412 = arith.cmpi ne, %convert_element_type3A_410, %cond3A_411 : i32
        scf.if %cond3A_412 {
          %dma_wait3A_424 = arith.constant 2 : i32
          %dma_wait3A_425 = arith.constant 0 : i32
          %dma_wait3A_426 = arith.constant 0 : i32
          %dma_wait3A_427 = tpu.memref_slice %arg6[%dma_wait3A_424, %dma_wait3A_425, %dma_wait3A_426] : memref<6x128x128xf32, #tpu.memory_space<vmem>> -> memref<1x128x128xf32, #tpu.memory_space<vmem>>
          %dma_wait3A_428 = tpu.memref_squeeze %dma_wait3A_427 : memref<1x128x128xf32, #tpu.memory_space<vmem>> -> memref<128x128xf32, #tpu.memory_space<vmem>>
          %dma_wait3A_429 = arith.constant 0 : i32
          %dma_wait3A_430 = tpu.memref_slice %arg4[%mul3A_2, %dma_wait3A_429] : memref<819200x128xf32, #tpu.memory_space<hbm>> -> memref<128x128xf32, #tpu.memory_space<hbm>>
          %dma_wait3A_431 = arith.constant 0 : i32
          %dma_wait3A_432 = tpu.memref_slice %arg4[%mul3A_2, %dma_wait3A_431] : memref<819200x128xf32, #tpu.memory_space<hbm>> -> memref<128x128xf32, #tpu.memory_space<hbm>>
          %dma_wait3A_433 = arith.constant 0 : i32
          %dma_wait3A_434 = arith.constant 0 : i32
          %dma_wait3A_435 = tpu.memref_slice %arg6[%dma_wait3A_424, %dma_wait3A_433, %dma_wait3A_434] : memref<6x128x128xf32, #tpu.memory_space<vmem>> -> memref<1x128x128xf32, #tpu.memory_space<vmem>>
          %dma_wait3A_436 = tpu.memref_squeeze %dma_wait3A_435 : memref<1x128x128xf32, #tpu.memory_space<vmem>> -> memref<128x128xf32, #tpu.memory_space<vmem>>
          tpu.wait_dma2 semaphore(%arg16 : memref<!tpu.dma_semaphore, #tpu.memory_space<semaphore_mem>>) src(%dma_wait3A_436 : memref<128x128xf32, #tpu.memory_space<vmem>>) dst(%dma_wait3A_432 : memref<128x128xf32, #tpu.memory_space<hbm>>)
        } else {
        }
        %dma_start3A_413 = arith.constant 2 : i32
        %dma_start3A_414 = arith.constant 0 : i32
        %dma_start3A_415 = arith.constant 0 : i32
        %dma_start3A_416 = tpu.memref_slice %arg6[%dma_start3A_413, %dma_start3A_414, %dma_start3A_415] : memref<6x128x128xf32, #tpu.memory_space<vmem>> -> memref<1x128x128xf32, #tpu.memory_space<vmem>>
        %dma_start3A_417 = tpu.memref_squeeze %dma_start3A_416 : memref<1x128x128xf32, #tpu.memory_space<vmem>> -> memref<128x128xf32, #tpu.memory_space<vmem>>
        %dma_start3A_418 = arith.constant 0 : i32
        %dma_start3A_419 = tpu.memref_slice %arg5[%add3A_402, %dma_start3A_418] : memref<200x128xi32, #tpu.memory_space<vmem>> -> memref<1x128xi32, #tpu.memory_space<vmem>>
        %dma_start3A_420 = tpu.memref_squeeze %dma_start3A_419 : memref<1x128xi32, #tpu.memory_space<vmem>> -> memref<128xi32, #tpu.memory_space<vmem>>
        %dma_start3A_421 = arith.constant 0 : i32
        %dma_start3A_422 = arith.constant 0 : i32
        %dma_start3A_423 = tpu.memref_slice %arg7[%dma_start3A_421, %dma_start3A_422] : memref<366x128xf32, #tpu.memory_space<vmem_shared>> -> memref<366x128xf32, #tpu.memory_space<vmem_shared>>
        tpu.enqueue_indirect_dma source(%dma_start3A_423 : memref<366x128xf32, #tpu.memory_space<vmem_shared>>) target(%dma_start3A_417 : memref<128x128xf32, #tpu.memory_space<vmem>>) offsets(%dma_start3A_420 : memref<128xi32, #tpu.memory_space<vmem>>) semaphore(%arg10 : memref<!tpu.dma_semaphore, #tpu.memory_space<semaphore_mem>>)
      } else {
      }
    }
    %scan3A_46 = arith.constant 33 : i32
    %dma_wait3A = arith.constant 198 : i32
    %dma_wait3A_47 = arith.constant 0 : i32
    %dma_wait3A_48 = arith.constant 0 : i32
    %dma_wait3A_49 = arith.constant 0 : i32
    %dma_wait3A_50 = tpu.memref_slice %arg6[%dma_wait3A_47, %dma_wait3A_48, %dma_wait3A_49] : memref<6x128x128xf32, #tpu.memory_space<vmem>> -> memref<1x128x128xf32, #tpu.memory_space<vmem>>
    %dma_wait3A_51 = tpu.memref_squeeze %dma_wait3A_50 : memref<1x128x128xf32, #tpu.memory_space<vmem>> -> memref<128x128xf32, #tpu.memory_space<vmem>>
    %dma_wait3A_52 = arith.constant 0 : i32
    %dma_wait3A_53 = tpu.memref_slice %arg5[%dma_wait3A, %dma_wait3A_52] : memref<200x128xi32, #tpu.memory_space<vmem>> -> memref<1x128xi32, #tpu.memory_space<vmem>>
    %dma_wait3A_54 = tpu.memref_squeeze %dma_wait3A_53 : memref<1x128xi32, #tpu.memory_space<vmem>> -> memref<128xi32, #tpu.memory_space<vmem>>
    %dma_wait3A_55 = arith.constant 0 : i32
    %dma_wait3A_56 = arith.constant 0 : i32
    %dma_wait3A_57 = tpu.memref_slice %arg7[%dma_wait3A_55, %dma_wait3A_56] : memref<366x128xf32, #tpu.memory_space<vmem_shared>> -> memref<366x128xf32, #tpu.memory_space<vmem_shared>>
    tpu.wait_indirect_dma semaphore(%arg8 : memref<!tpu.dma_semaphore, #tpu.memory_space<semaphore_mem>>) src(%dma_wait3A_57 : memref<366x128xf32, #tpu.memory_space<vmem_shared>>) dst(%dma_wait3A_51 : memref<128x128xf32, #tpu.memory_space<vmem>>)
    %add3A_58 = arith.constant 25344 : i32
    %add3A_59 = arith.addi %mul3A_2, %add3A_58 : i32
    %dma_start3A_60 = arith.constant 0 : i32
    %dma_start3A_61 = arith.constant 0 : i32
    %dma_start3A_62 = arith.constant 0 : i32
    %dma_start3A_63 = tpu.memref_slice %arg6[%dma_start3A_60, %dma_start3A_61, %dma_start3A_62] : memref<6x128x128xf32, #tpu.memory_space<vmem>> -> memref<1x128x128xf32, #tpu.memory_space<vmem>>
    %dma_start3A_64 = tpu.memref_squeeze %dma_start3A_63 : memref<1x128x128xf32, #tpu.memory_space<vmem>> -> memref<128x128xf32, #tpu.memory_space<vmem>>
    %dma_start3A_65 = arith.constant 0 : i32
    %dma_start3A_66 = tpu.memref_slice %arg4[%add3A_59, %dma_start3A_65] : memref<819200x128xf32, #tpu.memory_space<hbm>> -> memref<128x128xf32, #tpu.memory_space<hbm>>
    %dma_start3A_67 = arith.constant 0 : i32
    %dma_start3A_68 = tpu.memref_slice %arg4[%add3A_59, %dma_start3A_67] : memref<819200x128xf32, #tpu.memory_space<hbm>> -> memref<128x128xf32, #tpu.memory_space<hbm>>
    %dma_start3A_69 = arith.constant 0 : i32
    %dma_start3A_70 = arith.constant 0 : i32
    %dma_start3A_71 = tpu.memref_slice %arg6[%dma_start3A_60, %dma_start3A_69, %dma_start3A_70] : memref<6x128x128xf32, #tpu.memory_space<vmem>> -> memref<1x128x128xf32, #tpu.memory_space<vmem>>
    %dma_start3A_72 = tpu.memref_squeeze %dma_start3A_71 : memref<1x128x128xf32, #tpu.memory_space<vmem>> -> memref<128x128xf32, #tpu.memory_space<vmem>>
    tpu.enqueue_dma source(%dma_start3A_72 : memref<128x128xf32, #tpu.memory_space<vmem>>) target(%dma_start3A_68 : memref<128x128xf32, #tpu.memory_space<hbm>>) target_semaphore(%arg14 : memref<!tpu.dma_semaphore, #tpu.memory_space<semaphore_mem>>)
    %dma_wait3A_73 = arith.constant 199 : i32
    %dma_wait3A_74 = arith.constant 1 : i32
    %dma_wait3A_75 = arith.constant 0 : i32
    %dma_wait3A_76 = arith.constant 0 : i32
    %dma_wait3A_77 = tpu.memref_slice %arg6[%dma_wait3A_74, %dma_wait3A_75, %dma_wait3A_76] : memref<6x128x128xf32, #tpu.memory_space<vmem>> -> memref<1x128x128xf32, #tpu.memory_space<vmem>>
    %dma_wait3A_78 = tpu.memref_squeeze %dma_wait3A_77 : memref<1x128x128xf32, #tpu.memory_space<vmem>> -> memref<128x128xf32, #tpu.memory_space<vmem>>
    %dma_wait3A_79 = arith.constant 0 : i32
    %dma_wait3A_80 = tpu.memref_slice %arg5[%dma_wait3A_73, %dma_wait3A_79] : memref<200x128xi32, #tpu.memory_space<vmem>> -> memref<1x128xi32, #tpu.memory_space<vmem>>
    %dma_wait3A_81 = tpu.memref_squeeze %dma_wait3A_80 : memref<1x128xi32, #tpu.memory_space<vmem>> -> memref<128xi32, #tpu.memory_space<vmem>>
    %dma_wait3A_82 = arith.constant 0 : i32
    %dma_wait3A_83 = arith.constant 0 : i32
    %dma_wait3A_84 = tpu.memref_slice %arg7[%dma_wait3A_82, %dma_wait3A_83] : memref<366x128xf32, #tpu.memory_space<vmem_shared>> -> memref<366x128xf32, #tpu.memory_space<vmem_shared>>
    tpu.wait_indirect_dma semaphore(%arg9 : memref<!tpu.dma_semaphore, #tpu.memory_space<semaphore_mem>>) src(%dma_wait3A_84 : memref<366x128xf32, #tpu.memory_space<vmem_shared>>) dst(%dma_wait3A_78 : memref<128x128xf32, #tpu.memory_space<vmem>>)
    %add3A_85 = arith.constant 25472 : i32
    %add3A_86 = arith.addi %mul3A_2, %add3A_85 : i32
    %dma_start3A_87 = arith.constant 1 : i32
    %dma_start3A_88 = arith.constant 0 : i32
    %dma_start3A_89 = arith.constant 0 : i32
    %dma_start3A_90 = tpu.memref_slice %arg6[%dma_start3A_87, %dma_start3A_88, %dma_start3A_89] : memref<6x128x128xf32, #tpu.memory_space<vmem>> -> memref<1x128x128xf32, #tpu.memory_space<vmem>>
    %dma_start3A_91 = tpu.memref_squeeze %dma_start3A_90 : memref<1x128x128xf32, #tpu.memory_space<vmem>> -> memref<128x128xf32, #tpu.memory_space<vmem>>
    %dma_start3A_92 = arith.constant 0 : i32
    %dma_start3A_93 = tpu.memref_slice %arg4[%add3A_86, %dma_start3A_92] : memref<819200x128xf32, #tpu.memory_space<hbm>> -> memref<128x128xf32, #tpu.memory_space<hbm>>
    %dma_start3A_94 = arith.constant 0 : i32
    %dma_start3A_95 = tpu.memref_slice %arg4[%add3A_86, %dma_start3A_94] : memref<819200x128xf32, #tpu.memory_space<hbm>> -> memref<128x128xf32, #tpu.memory_space<hbm>>
    %dma_start3A_96 = arith.constant 0 : i32
    %dma_start3A_97 = arith.constant 0 : i32
    %dma_start3A_98 = tpu.memref_slice %arg6[%dma_start3A_87, %dma_start3A_96, %dma_start3A_97] : memref<6x128x128xf32, #tpu.memory_space<vmem>> -> memref<1x128x128xf32, #tpu.memory_space<vmem>>
    %dma_start3A_99 = tpu.memref_squeeze %dma_start3A_98 : memref<1x128x128xf32, #tpu.memory_space<vmem>> -> memref<128x128xf32, #tpu.memory_space<vmem>>
    tpu.enqueue_dma source(%dma_start3A_99 : memref<128x128xf32, #tpu.memory_space<vmem>>) target(%dma_start3A_95 : memref<128x128xf32, #tpu.memory_space<hbm>>) target_semaphore(%arg15 : memref<!tpu.dma_semaphore, #tpu.memory_space<semaphore_mem>>)
    %dma_wait3A_100 = arith.constant 0 : i32
    %dma_wait3A_101 = arith.constant 0 : i32
    %dma_wait3A_102 = arith.constant 0 : i32
    %dma_wait3A_103 = tpu.memref_slice %arg6[%dma_wait3A_100, %dma_wait3A_101, %dma_wait3A_102] : memref<6x128x128xf32, #tpu.memory_space<vmem>> -> memref<1x128x128xf32, #tpu.memory_space<vmem>>
    %dma_wait3A_104 = tpu.memref_squeeze %dma_wait3A_103 : memref<1x128x128xf32, #tpu.memory_space<vmem>> -> memref<128x128xf32, #tpu.memory_space<vmem>>
    %dma_wait3A_105 = arith.constant 0 : i32
    %dma_wait3A_106 = tpu.memref_slice %arg4[%mul3A_2, %dma_wait3A_105] : memref<819200x128xf32, #tpu.memory_space<hbm>> -> memref<128x128xf32, #tpu.memory_space<hbm>>
    %dma_wait3A_107 = arith.constant 0 : i32
    %dma_wait3A_108 = tpu.memref_slice %arg4[%mul3A_2, %dma_wait3A_107] : memref<819200x128xf32, #tpu.memory_space<hbm>> -> memref<128x128xf32, #tpu.memory_space<hbm>>
    %dma_wait3A_109 = arith.constant 0 : i32
    %dma_wait3A_110 = arith.constant 0 : i32
    %dma_wait3A_111 = tpu.memref_slice %arg6[%dma_wait3A_100, %dma_wait3A_109, %dma_wait3A_110] : memref<6x128x128xf32, #tpu.memory_space<vmem>> -> memref<1x128x128xf32, #tpu.memory_space<vmem>>
    %dma_wait3A_112 = tpu.memref_squeeze %dma_wait3A_111 : memref<1x128x128xf32, #tpu.memory_space<vmem>> -> memref<128x128xf32, #tpu.memory_space<vmem>>
    tpu.wait_dma2 semaphore(%arg14 : memref<!tpu.dma_semaphore, #tpu.memory_space<semaphore_mem>>) src(%dma_wait3A_112 : memref<128x128xf32, #tpu.memory_space<vmem>>) dst(%dma_wait3A_108 : memref<128x128xf32, #tpu.memory_space<hbm>>)
    %dma_wait3A_113 = arith.constant 1 : i32
    %dma_wait3A_114 = arith.constant 0 : i32
    %dma_wait3A_115 = arith.constant 0 : i32
    %dma_wait3A_116 = tpu.memref_slice %arg6[%dma_wait3A_113, %dma_wait3A_114, %dma_wait3A_115] : memref<6x128x128xf32, #tpu.memory_space<vmem>> -> memref<1x128x128xf32, #tpu.memory_space<vmem>>
    %dma_wait3A_117 = tpu.memref_squeeze %dma_wait3A_116 : memref<1x128x128xf32, #tpu.memory_space<vmem>> -> memref<128x128xf32, #tpu.memory_space<vmem>>
    %dma_wait3A_118 = arith.constant 0 : i32
    %dma_wait3A_119 = tpu.memref_slice %arg4[%mul3A_2, %dma_wait3A_118] : memref<819200x128xf32, #tpu.memory_space<hbm>> -> memref<128x128xf32, #tpu.memory_space<hbm>>
    %dma_wait3A_120 = arith.constant 0 : i32
    %dma_wait3A_121 = tpu.memref_slice %arg4[%mul3A_2, %dma_wait3A_120] : memref<819200x128xf32, #tpu.memory_space<hbm>> -> memref<128x128xf32, #tpu.memory_space<hbm>>
    %dma_wait3A_122 = arith.constant 0 : i32
    %dma_wait3A_123 = arith.constant 0 : i32
    %dma_wait3A_124 = tpu.memref_slice %arg6[%dma_wait3A_113, %dma_wait3A_122, %dma_wait3A_123] : memref<6x128x128xf32, #tpu.memory_space<vmem>> -> memref<1x128x128xf32, #tpu.memory_space<vmem>>
    %dma_wait3A_125 = tpu.memref_squeeze %dma_wait3A_124 : memref<1x128x128xf32, #tpu.memory_space<vmem>> -> memref<128x128xf32, #tpu.memory_space<vmem>>
    tpu.wait_dma2 semaphore(%arg15 : memref<!tpu.dma_semaphore, #tpu.memory_space<semaphore_mem>>) src(%dma_wait3A_125 : memref<128x128xf32, #tpu.memory_space<vmem>>) dst(%dma_wait3A_121 : memref<128x128xf32, #tpu.memory_space<hbm>>)
    %dma_wait3A_126 = arith.constant 2 : i32
    %dma_wait3A_127 = arith.constant 0 : i32
    %dma_wait3A_128 = arith.constant 0 : i32
    %dma_wait3A_129 = tpu.memref_slice %arg6[%dma_wait3A_126, %dma_wait3A_127, %dma_wait3A_128] : memref<6x128x128xf32, #tpu.memory_space<vmem>> -> memref<1x128x128xf32, #tpu.memory_space<vmem>>
    %dma_wait3A_130 = tpu.memref_squeeze %dma_wait3A_129 : memref<1x128x128xf32, #tpu.memory_space<vmem>> -> memref<128x128xf32, #tpu.memory_space<vmem>>
    %dma_wait3A_131 = arith.constant 0 : i32
    %dma_wait3A_132 = tpu.memref_slice %arg4[%mul3A_2, %dma_wait3A_131] : memref<819200x128xf32, #tpu.memory_space<hbm>> -> memref<128x128xf32, #tpu.memory_space<hbm>>
    %dma_wait3A_133 = arith.constant 0 : i32
    %dma_wait3A_134 = tpu.memref_slice %arg4[%mul3A_2, %dma_wait3A_133] : memref<819200x128xf32, #tpu.memory_space<hbm>> -> memref<128x128xf32, #tpu.memory_space<hbm>>
    %dma_wait3A_135 = arith.constant 0 : i32
    %dma_wait3A_136 = arith.constant 0 : i32
    %dma_wait3A_137 = tpu.memref_slice %arg6[%dma_wait3A_126, %dma_wait3A_135, %dma_wait3A_136] : memref<6x128x128xf32, #tpu.memory_space<vmem>> -> memref<1x128x128xf32, #tpu.memory_space<vmem>>
    %dma_wait3A_138 = tpu.memref_squeeze %dma_wait3A_137 : memref<1x128x128xf32, #tpu.memory_space<vmem>> -> memref<128x128xf32, #tpu.memory_space<vmem>>
    tpu.wait_dma2 semaphore(%arg16 : memref<!tpu.dma_semaphore, #tpu.memory_space<semaphore_mem>>) src(%dma_wait3A_138 : memref<128x128xf32, #tpu.memory_space<vmem>>) dst(%dma_wait3A_134 : memref<128x128xf32, #tpu.memory_space<hbm>>)
    %dma_wait3A_139 = arith.constant 3 : i32
    %dma_wait3A_140 = arith.constant 0 : i32
    %dma_wait3A_141 = arith.constant 0 : i32
    %dma_wait3A_142 = tpu.memref_slice %arg6[%dma_wait3A_139, %dma_wait3A_140, %dma_wait3A_141] : memref<6x128x128xf32, #tpu.memory_space<vmem>> -> memref<1x128x128xf32, #tpu.memory_space<vmem>>
    %dma_wait3A_143 = tpu.memref_squeeze %dma_wait3A_142 : memref<1x128x128xf32, #tpu.memory_space<vmem>> -> memref<128x128xf32, #tpu.memory_space<vmem>>
    %dma_wait3A_144 = arith.constant 0 : i32
    %dma_wait3A_145 = tpu.memref_slice %arg4[%mul3A_2, %dma_wait3A_144] : memref<819200x128xf32, #tpu.memory_space<hbm>> -> memref<128x128xf32, #tpu.memory_space<hbm>>
    %dma_wait3A_146 = arith.constant 0 : i32
    %dma_wait3A_147 = tpu.memref_slice %arg4[%mul3A_2, %dma_wait3A_146] : memref<819200x128xf32, #tpu.memory_space<hbm>> -> memref<128x128xf32, #tpu.memory_space<hbm>>
    %dma_wait3A_148 = arith.constant 0 : i32
    %dma_wait3A_149 = arith.constant 0 : i32
    %dma_wait3A_150 = tpu.memref_slice %arg6[%dma_wait3A_139, %dma_wait3A_148, %dma_wait3A_149] : memref<6x128x128xf32, #tpu.memory_space<vmem>> -> memref<1x128x128xf32, #tpu.memory_space<vmem>>
    %dma_wait3A_151 = tpu.memref_squeeze %dma_wait3A_150 : memref<1x128x128xf32, #tpu.memory_space<vmem>> -> memref<128x128xf32, #tpu.memory_space<vmem>>
    tpu.wait_dma2 semaphore(%arg17 : memref<!tpu.dma_semaphore, #tpu.memory_space<semaphore_mem>>) src(%dma_wait3A_151 : memref<128x128xf32, #tpu.memory_space<vmem>>) dst(%dma_wait3A_147 : memref<128x128xf32, #tpu.memory_space<hbm>>)
    %dma_wait3A_152 = arith.constant 4 : i32
    %dma_wait3A_153 = arith.constant 0 : i32
    %dma_wait3A_154 = arith.constant 0 : i32
    %dma_wait3A_155 = tpu.memref_slice %arg6[%dma_wait3A_152, %dma_wait3A_153, %dma_wait3A_154] : memref<6x128x128xf32, #tpu.memory_space<vmem>> -> memref<1x128x128xf32, #tpu.memory_space<vmem>>
    %dma_wait3A_156 = tpu.memref_squeeze %dma_wait3A_155 : memref<1x128x128xf32, #tpu.memory_space<vmem>> -> memref<128x128xf32, #tpu.memory_space<vmem>>
    %dma_wait3A_157 = arith.constant 0 : i32
    %dma_wait3A_158 = tpu.memref_slice %arg4[%mul3A_2, %dma_wait3A_157] : memref<819200x128xf32, #tpu.memory_space<hbm>> -> memref<128x128xf32, #tpu.memory_space<hbm>>
    %dma_wait3A_159 = arith.constant 0 : i32
    %dma_wait3A_160 = tpu.memref_slice %arg4[%mul3A_2, %dma_wait3A_159] : memref<819200x128xf32, #tpu.memory_space<hbm>> -> memref<128x128xf32, #tpu.memory_space<hbm>>
    %dma_wait3A_161 = arith.constant 0 : i32
    %dma_wait3A_162 = arith.constant 0 : i32
    %dma_wait3A_163 = tpu.memref_slice %arg6[%dma_wait3A_152, %dma_wait3A_161, %dma_wait3A_162] : memref<6x128x128xf32, #tpu.memory_space<vmem>> -> memref<1x128x128xf32, #tpu.memory_space<vmem>>
    %dma_wait3A_164 = tpu.memref_squeeze %dma_wait3A_163 : memref<1x128x128xf32, #tpu.memory_space<vmem>> -> memref<128x128xf32, #tpu.memory_space<vmem>>
    tpu.wait_dma2 semaphore(%arg18 : memref<!tpu.dma_semaphore, #tpu.memory_space<semaphore_mem>>) src(%dma_wait3A_164 : memref<128x128xf32, #tpu.memory_space<vmem>>) dst(%dma_wait3A_160 : memref<128x128xf32, #tpu.memory_space<hbm>>)
    %dma_wait3A_165 = arith.constant 5 : i32
    %dma_wait3A_166 = arith.constant 0 : i32
    %dma_wait3A_167 = arith.constant 0 : i32
    %dma_wait3A_168 = tpu.memref_slice %arg6[%dma_wait3A_165, %dma_wait3A_166, %dma_wait3A_167] : memref<6x128x128xf32, #tpu.memory_space<vmem>> -> memref<1x128x128xf32, #tpu.memory_space<vmem>>
    %dma_wait3A_169 = tpu.memref_squeeze %dma_wait3A_168 : memref<1x128x128xf32, #tpu.memory_space<vmem>> -> memref<128x128xf32, #tpu.memory_space<vmem>>
    %dma_wait3A_170 = arith.constant 0 : i32
    %dma_wait3A_171 = tpu.memref_slice %arg4[%mul3A_2, %dma_wait3A_170] : memref<819200x128xf32, #tpu.memory_space<hbm>> -> memref<128x128xf32, #tpu.memory_space<hbm>>
    %dma_wait3A_172 = arith.constant 0 : i32
    %dma_wait3A_173 = tpu.memref_slice %arg4[%mul3A_2, %dma_wait3A_172] : memref<819200x128xf32, #tpu.memory_space<hbm>> -> memref<128x128xf32, #tpu.memory_space<hbm>>
    %dma_wait3A_174 = arith.constant 0 : i32
    %dma_wait3A_175 = arith.constant 0 : i32
    %dma_wait3A_176 = tpu.memref_slice %arg6[%dma_wait3A_165, %dma_wait3A_174, %dma_wait3A_175] : memref<6x128x128xf32, #tpu.memory_space<vmem>> -> memref<1x128x128xf32, #tpu.memory_space<vmem>>
    %dma_wait3A_177 = tpu.memref_squeeze %dma_wait3A_176 : memref<1x128x128xf32, #tpu.memory_space<vmem>> -> memref<128x128xf32, #tpu.memory_space<vmem>>
    tpu.wait_dma2 semaphore(%arg19 : memref<!tpu.dma_semaphore, #tpu.memory_space<semaphore_mem>>) src(%dma_wait3A_177 : memref<128x128xf32, #tpu.memory_space<vmem>>) dst(%dma_wait3A_173 : memref<128x128xf32, #tpu.memory_space<hbm>>)
    return
  }
}

</mosaic_0001>

<sc_bundles>
// kernel: kernel.3.cloned.1.call-start
scs
__scs_entry_jumppad:
0x0: {  	(pc) =	sbr.rel $0x88, $3  }
0x1: {  	(tag) =	ssettag $0x0;
	lr =	simm.s32 $0x1  }
0x2: {  	[smem:$0x3F9F] =	sst lr;
	_ =	strace $0xD0000000  }
0x3: {  	_ = 	snop  }
0x4: {  	_ = 	snop  }
0x5: {  	_ = 	snop  }
0x6: {  	_ = 	snop  }
0x7: {  	_ = 	snop  }
__scs_overlays_trampoline_lowered:
0x8: {  	[smem:$0x3FAE] =	sst s0  }
0x9: {  	[smem:$0x3FAF] =	sst s1  }
0xa: {  	[smem:$0x3FB0] =	sst s2  }
0xb: {  	[smem:$0x3FB1] =	sst s3  }
0xc: {  	[smem:$0x3FB2] =	sst s4  }
0xd: {  	[smem:$0x3FB3] =	sst s5  }
0xe: {  	[smem:$0x3FB4] =	sst s6  }
0xf: {  	[smem:$0x3FB5] =	sst s7  }
0x10: {  	[smem:$0x3FB6] =	sst s8  }
0x11: {  	[smem:$0x3FB7] =	sst s9;
	s0 =	simm.s32 @!p0 $0x0  }
0x12: {  	s1 =	sld [smem:$0x3F9D];
	s0 =	simm.s32 @p0 $0x1  }
0x13: {  	[smem:$0x3FB8] =	sst s0;
	s0 =	simm.s32 @!p1 $0x0  }
0x14: {  	s2 =	sld [smem:$0x3F9C];
	s0 =	simm.s32 @p1 $0x1  }
0x15: {  	[smem:$0x3FB9] =	sst s0;
	s0 =	simm.s32 @!p2 $0x0  }
0x16: {  	s3 =	sld [smem:$0x3FDB];
	s0 =	simm.s32 @p2 $0x1  }
0x17: {  	s4 =	simm.s32 $0x1BF5;
	[smem:$0x3FBB] =	sst s0  }
0x18: {  	s0 =	sld [smem:$0x3F9E];
	_ =	swait.ge [sflag:s4], $0x0  }
0x19: {  	s7 =	sld [smem:$0x3F9F]  }
0x1a: {  	s8 =	sadd.s32 $0xFFFFE003, lr  }
0x1b: {  	s9 =	sadd.s32 $0xFFFFFEF7, lr;
	s5 =	simm.s32 $0xFFFFFFFF;
	p2 =	slt.u32 s8, $0xFFFFF086  }
0x1c: {  	p1 =	slt.u32 s9, $0xF7A;
	s5 =	simm.s32 @!p2 $0x0  }
0x1d: {  	s5 =	simm.s32 @p1 $0x1;
	p0 =	seq.s32 s7, s2  }
0x1e: {  	s7 =	smul.u32 @!p0 $0xF7A, s2;
	p2 =	seq.s32 @!p0 s5, $0x0  }
0x1f: {  	s9 =	smul.u32 $0xF7A, s1;
	s8 =	simm.s32 @!p0 $0x1BF5;
	p2 =	por !p2, p0  }
0x20: {  	[sflag:s8] =	ssyncset.s32 @!p0 $0xFFFFF086;
	s6 =	sadd.s32 @!p0 s3, s7;
	s7 =	simm.s32 @!p0 $0x108  }
0x21: {  	s3 =	sadd.s32 s3, s9;
	s6 =	sadd.s32 @!p0 $0x88, s6;
	s7 =	simm.s32 @p2 $0x1082  }
0x22: {  	[simem:s7], [sflag:s8] =	dma.local @!p0 [hbm:s6], $0xF7A  }
0x23: {  	s9 =	sor.u32 $0xD0000000, s2;
	s6 =	simm.s32 $0x108;
	_ =	swait.ge @!p0 [sflag:s8], $0x0  }
0x24: {  	s3 =	sadd.s32 $0x88, s3;
	s6 =	simm.s32 @!p1 $0x1082;
	[sflag:s4] =	ssyncset.s32 $0xFFFFF086  }
0x25: {  	[simem:s6], [sflag:s4] =	dma.local [hbm:s3], $0xF7A  }
0x26: {  	[smem:$0x3F9F] =	sst s1;
	(tag) =	ssettag s2;
	_ =	strace s9  }
0x27: {  	s1 =	sld [smem:$0x3FAF]  }
0x28: {  	s2 =	sld [smem:$0x3FB0]  }
0x29: {  	s4 =	sld [smem:$0x3FB2]  }
0x2a: {  	p0 =	seq.s32 s5, $0x0;
	s5 =	sld [smem:$0x3FB3]  }
0x2b: {  	s6 =	sld [smem:$0x3FB4]  }
0x2c: {  	s7 =	sld [smem:$0x3FB5]  }
0x2d: {  	s3 =	simm.s32 $0x108;
	s8 =	sld [smem:$0x3FB6]  }
0x2e: {  	s3 =	simm.s32 @!p0 $0x1082;
	s9 =	sld [smem:$0x3FB7]  }
0x2f: {  	lr =	sadd.s32 s0, s3;
	s0 =	sld [smem:$0x3FAE]  }
0x30: {  	s3 =	sld [smem:$0x3FB1]  }
0x31: {  	[smem:$0x3FBA] =	sst s10  }
0x32: {  	s10 =	sld [smem:$0x3FB8];
	_ =	sdelay $0x3  }
0x33: {  	p0 =	seq.s32 s10, $0x1;
	s10 =	sld [smem:$0x3FBA];
	_ =	sdelay $0x3  }
0x34: {  	[smem:$0x3FBA] =	sst s10  }
0x35: {  	s10 =	sld [smem:$0x3FB9];
	_ =	sdelay $0x3  }
0x36: {  	p1 =	seq.s32 s10, $0x1;
	s10 =	sld [smem:$0x3FBA];
	_ =	sdelay $0x3  }
0x37: {  	[smem:$0x3FBA] =	sst s10  }
0x38: {  	s10 =	sld [smem:$0x3FBB]  }
0x39: {  	_ = 	snop;
	(pc) =	sbr.ind lr, $3  }
0x3a: {  	_ = 	snop  }
0x3b: {  	_ = 	snop  }
0x3c: {  	p2 =	seq.s32 s10, $0x1;
	s10 =	sld [smem:$0x3FBA]  }
0x3d: {  	_ =	shalt  }
0x3e: {  	_ =	shalt  }
0x3f: {  	_ =	shalt  }
0x40: {  	_ =	shalt  }
0x41: {  	_ =	shalt  }
0x42: {  	_ =	shalt  }
0x43: {  	_ =	shalt  }
0x44: {  	_ =	shalt  }
0x45: {  	_ =	shalt  }
0x46: {  	_ =	shalt  }
0x47: {  	_ =	shalt  }
0x48: {  	_ =	shalt  }
0x49: {  	_ =	shalt  }
0x4a: {  	_ =	shalt  }
0x4b: {  	_ =	shalt  }
0x4c: {  	_ =	shalt  }
0x4d: {  	_ =	shalt  }
0x4e: {  	_ =	shalt  }
0x4f: {  	_ =	shalt  }
0x50: {  	_ =	shalt  }
0x51: {  	_ =	shalt  }
0x52: {  	_ =	shalt  }
0x53: {  	_ =	shalt  }
0x54: {  	_ =	shalt  }
0x55: {  	_ =	shalt  }
0x56: {  	_ =	shalt  }
0x57: {  	_ =	shalt  }
0x58: {  	_ =	shalt  }
0x59: {  	_ =	shalt  }
0x5a: {  	_ =	shalt  }
0x5b: {  	_ =	shalt  }
0x5c: {  	_ =	shalt  }
0x5d: {  	_ =	shalt  }
0x5e: {  	_ =	shalt  }
0x5f: {  	_ =	shalt  }
0x60: {  	_ =	shalt  }
0x61: {  	_ =	shalt  }
0x62: {  	_ =	shalt  }
0x63: {  	_ =	shalt  }
0x64: {  	_ =	shalt  }
0x65: {  	_ =	shalt  }
0x66: {  	_ =	shalt  }
0x67: {  	_ =	shalt  }
0x68: {  	_ =	shalt  }
0x69: {  	_ =	shalt  }
0x6a: {  	_ =	shalt  }
0x6b: {  	_ =	shalt  }
0x6c: {  	_ =	shalt  }
0x6d: {  	_ =	shalt  }
0x6e: {  	_ =	shalt  }
0x6f: {  	_ =	shalt  }
0x70: {  	_ =	shalt  }
0x71: {  	_ =	shalt  }
0x72: {  	_ =	shalt  }
0x73: {  	_ =	shalt  }
0x74: {  	_ =	shalt  }
0x75: {  	_ =	shalt  }
0x76: {  	_ =	shalt  }
0x77: {  	_ =	shalt  }
0x78: {  	_ =	shalt  }
0x79: {  	_ =	shalt  }
0x7a: {  	_ =	shalt  }
0x7b: {  	_ =	shalt  }
0x7c: {  	_ =	shalt  }
0x7d: {  	_ =	shalt  }
0x7e: {  	_ =	shalt  }
0x7f: {  	_ =	shalt  }
0x80: {  	_ =	shalt  }
0x81: {  	_ =	shalt  }
0x82: {  	_ =	shalt  }
0x83: {  	_ =	shalt  }
0x84: {  	_ =	shalt  }
0x85: {  	_ =	shalt  }
0x86: {  	_ =	shalt  }
0x87: {  	_ =	shalt  }
.Lfunc_end0:
.L_simem_size_0:
called_computation_lowered:
.L_overlay_start_0:
0x88: {  	s2 =	sld [smem:$0x3FD9]  }
0x89: {  	s3 =	sld [smem:$0x3FFE];
	_ =	sdelay $0x1  }
0x8a: {  	s1 =	srdreg.scid  }
0x8b: {  	s0 =	sand.u32 $0x1, s1  }
0x8c: {  	s17 =	sshll.u32 s0, $0xA;
	s2 =	sadd.s32 s3, s2  }
0x8d: {  	s2 =	sadd.s32 s2, s17  }
0x8e: {  	[smem:$0x3FC6] =	sst s2  }
0x8f: {  	_ = 	snop  }
0x90: {  	s2 =	sld [smem:$0x3FC8]  }
0x91: {  	s18 =	sld [smem:$0x3FD0];
	(tm) =	ssettm $0x1  }
0x92: {  	s4 =	sld [smem:$0x3FFB];
	_ =	sdelay $0x3  }
0x93: {  	_ =	strace s4  }
0x94: {  	s4 =	sld [smem:$0x3FFC];
	_ =	sdelay $0x3  }
0x95: {  	_ =	strace s4  }
0x96: {  	s4 =	sld [smem:$0x3FFD];
	_ =	sdelay $0x3  }
0x97: {  	_ =	strace s4  }
0x98: {  	_ =	strace $0x8FFFFFFF  }
0x99: {  	s19 =	sld [smem:$0x3FDB];
	_ =	sdelay $0x1  }
0x9a: {  	s5 =	simm.s32 $_scs_section_size  }
0x9b: {  	s6 =	simm.s32 $_size__tile_overlayer_lowered;
	s7 =	simm.s32 $_tile_overlayer_lowered  }
0x9c: {  	s22 =	simm.s32 $0x1BFF;
	s21 =	sshll.u32 s7, $0x1;
	s4 =	sadd.s32 s5, s19  }
0x9d: {  	s8 =	simm.s32 $0x0;
	s20 =	sshll.u32 s6, $0x1;
	s6 =	sadd.s32 s21, s4  }
0x9e: {  	[timem:s8], [sflag:s22] =	dma.local [hbm:s6], s20  }
0x9f: {  	_ =	swait.ge [sflag:s22], s20  }
0xa0: {  	s5 =	ssub.s32 $0x0, s20;
	[sflag:s22] =	ssyncset.done $0x0  }
0xa1: {  	[sflag:s22] =	ssyncadd.s32 s5;
	_ =	sdelay $0x1  }
0xa2: {  	s23 =	simm.s32 $0x1B8B  }
0xa3: {  	_ =	swait.ge [sflag:s23], $0x1  }
0xa4: {  	[sflag:s23] =	ssyncset.done $0x0  }
0xa5: {  	s25 =	simm.s32 $0x1B8E;
	s24 =	sld [smem:$0x3FFE];
	[sflag:s23] =	ssyncadd.s32 $0xFFFFFFFF  }
0xa6: {  	s26 =	simm.s32 $execute0_lowered;
	[smem:$0x3FD2] =	sst s25  }
0xa7: {  	s6 =	sshll.u32 s26, $0x1;
	_ =	strace $0x80000046;
	[dreg:$0x1] =	wrdreg $0xFFFFFFFF  }
0xa8: {  	s28 =	simm.s32 $_size_execute0_lowered;
	s4 =	sadd.s32 s4, s6;
	[dreg:$0x0] =	wrdreg $0x0  }
0xa9: {  	s6 =	sshll.u32 s28, $0x1;
	[dreg:$0x2] =	wrdreg s4  }
0xaa: {  	[dreg:$0x3] =	wrdreg s6  }
0xab: {  	[dreg:$0x4] =	wrdreg $0xC0  }
0xac: {  	_ =	task [dreg:s8], $0x5FFFF  }
0xad: {  	[dreg:$0x1] =	wrdreg $0xFFFFFFFF  }
0xae: {  	[dreg:$0x0] =	wrdreg $0x60  }
0xaf: {  	[dreg:$0x2] =	wrdreg s2  }
0xb0: {  	[dreg:$0x3] =	wrdreg s24  }
0xb1: {  	[dreg:$0x4] =	wrdreg s18  }
0xb2: {  	[dreg:$0x5] =	wrdreg $0x1E4000  }
0xb3: {  	[dreg:$0x6] =	wrdreg $0x9  }
0xb4: {  	_ =	task.clear_ibuf [dreg:s8], $0x7FFFF;
	_ =	strace $0x90000046  }
0xb5: {  	s29 =	simm.s32 $0x9;
	_ =	strace $0x80000048  }
0xb6: {  	_ =	swait.ge [sflag:s29], $0x1  }
0xb7: {  	[sflag:s29] =	ssyncadd.s32 $0xFFFFFFFF  }
0xb8: {  	_ =	strace $0x90000048  }
0xb9: {  	_ =	sfence  }
0xba: {  	s30 =	sld [smem:$0x0];
	_ =	sdelay $0x2  }
0xbb: {  	s31 =	sshll.u32 s1, $0xD;
	s1 =	sshrl.u32 s1, $0x2  }
0xbc: {  	s3 =	sand.u32 $0x4000, s31;
	s1 =	sadd.s32 s1, s30  }
0xbd: {  	s0 =	sor.u32 s3, s0;
	s1 =	sshll.u32 s1, $0x11  }
0xbe: {  	s0 =	sor.u32 s1, s0  }
0xbf: {  	s0 =	sadd.s32 $0x8F2B, s0  }
0xc0: {  	[sflag:s0] =	ssyncadd.remote.s32 $0x1  }
0xc1: {  	_ =	sfence.sel $0xFFFF  }
0xc2: {  	[dreg:$0x0] =	wrdreg $0xFFFFFFFF;
	(pc) =	sbr.abs _section_cstart, $3  }
0xc3: {  	[dreg:$0x1] =	wrdreg $0xFFFFFFFF  }
0xc4: {  	_ =	task.clear_ibuf [dreg:s8], $0x2FFFF;
	_ =	strace $0x9FFFFFFF  }
0xc5: {  	(tm) =	ssettm $0x7FFFFFFF  }
tec
execute0_lowered:
.L_overlay_start_1:
0x0: {  	(tag) =	ssettag $0x1  }
0x1: {  	s0 =	rddreg [dreg:$0x1];
	s1 =	srdreg.scid  }
0x2: {  	s4 =	stileid.u32;
	s5 =	rddreg [dreg:$0x2]  }
0x3: {  	s2 =	rddreg [dreg:$0x3];
	s28 =	simm.s32 $0x4;
	s29 =	simm.s32 $0x7  }
0x4: {  	s30 =	simm.s32 $0x5;
	s31 =	simm.s32 $0x8;
	s9 =	smul.u32 $0x640000, s4  }
0x5: {  	s1 =	sand.u32 $0x1, s1;
	s3 =	sshll.u32 s4, $0x1;
	s20 =	smul.u32 $0xC8000, s4  }
0x6: {  	p0 =	sne.s32 s4, $0x0;
	s6 =	sor.u32 s1, s3;
	s11 =	smul.u32 $0x320000, s1  }
0x7: {  	s3 =	simm.s32 $0x0;
	s8 =	ssub.s32 $0x2, s1;
	s1 =	smul.u32 $0x64000, s1  }
0x8: {  	s4 =	simm.s32 $0xB;
	s7 =	smul.u32 $0xC80, s6;
	[smem:$0x7FF] =	sst s3  }
0x9: {  	s6 =	smul.u32 $0x320000, s6;
	s10 =	sshrl.u32 s8, $0x1;
	s22 =	sadd.s32 s20, s5  }
0xa: {  	s20 =	simm.s32 $0xE400;
	_ =	strace $0x80000047;
	s14 =	ssub.s32 s8, s10  }
0xb: {  	s16 =	sadd.s32 s11, s9;
	s10 =	sadd.s32 s1, s22;
	s22 =	simm.s32 $0x12400  }
0xc: {  	s1 =	simm.s32 $0x6;
	s6 =	sshrl.u32 s6, $0x3;
	s0 =	sadd.s32 s7, s0  }
0xd: {  	s17 =	smax.u32 s14, $0x1;
	s18 =	sor.u32 $0x8000, s16;
	s19 =	sor.u32 $0x4000, s16  }
0xe: {  	s23 =	sor.u32 $0x14000, s16;
	s25 =	sor.u32 $0x10000, s16;
	s6 =	sadd.s32 s5, s6  }
0xf: {  	s0 =	sadd.s32 $0x400, s0;
	[dreg:$0x8] =	wrdreg s17;
	s21 =	sshrl.u32 s19, $0x3  }
0x10: {  	s24 =	sshrl.u32 s23, $0x3;
	s26 =	sshrl.u32 s25, $0x3;
	s17 =	simm.s32 $0x6400  }
0x11: {  	s23 =	simm.s32 $0x2;
	s25 =	simm.s32 $0x3;
	s19 =	simm.s32 $0xA  }
0x12: {  	[dreg:$0x5] =	wrdreg s0;
	s15 =	sadd.s32 $0x63000, s6;
	s6 =	sadd.s32 $0x63800, s6  }
0x13: {  	s9 =	sadd.s32 s21, s5;
	s11 =	sadd.s32 s24, s5;
	s0 =	sor.u32 $0xC000, s16  }
0x14: {  	s12 =	sadd.s32 s26, s5;
	s16 =	simm.s32 $0x80;
	s21 =	simm.s32 $0x1  }
.Ltmp0:
0x15: {  	s24 =	simm.s32 $0x16400;
	[dreg:$0x6] =	wrdreg s15;
	(pc) =	sbr.rel .LBB2_1-.Ltmp0, $4  }
0x16: {  	s26 =	simm.s32 $0x1A400;
	[dreg:$0x7] =	wrdreg s6;
	s6 =	sshrl.u32 s18, $0x3  }
0x17: {  	s0 =	sshrl.u32 s0, $0x3;
	s18 =	simm.s32 $0xA400;
	s8 =	sadd.s32 s6, s5  }
0x18: {  	s13 =	sadd.s32 s0, s5;
	s0 =	sshrl.u32 @!p0 s2, $0x3;
	s5 =	simm.s32 $0xC  }
0x19: {  	s6 =	simm.s32 $0x0;
	[dreg:$0x9] =	wrdreg s0;
	s0 =	simm.s32 $0x9  }
.LBB2_4:
0x1a: {  	_ =	swait.ge [sflag:s21], $0x4000  }
0x1b: {  	[sflag:s21] =	ssyncset.done $0x0  }
0x1c: {  	s7 =	rddreg [dreg:$0x6];
	[sflag:s21] =	ssyncadd.s32 $0xFFFFC000  }
0x1d: {  	[hbm4b:s7+s3] =	stream.linear.scatter [tilespmem:s17], [sflag:$0x7], $0x4000, $0x38;
	[tilespmem:$0x1EF70] =	vst v63  }
0x1e: {  	_ =	swait.ge [sflag:s23], $0x4000  }
0x1f: {  	[sflag:s23] =	ssyncset.done $0x0  }
0x20: {  	s14 =	rddreg [dreg:$0x7];
	[sflag:s23] =	ssyncadd.s32 $0xFFFFC000  }
0x21: {  	[hbm4b:s14+s3] =	stream.linear.scatter [tilespmem:s18], [sflag:$0x8], $0x4000, $0x38;
	[tilespmem:$0x1EF70] =	vst v63  }
0x22: {  	_ =	swait.ge [sflag:s29], $0x4000  }
0x23: {  	[sflag:s29] =	ssyncset.done $0x0  }
0x24: {  	[sflag:s29] =	ssyncadd.s32 $0xFFFFC000  }
0x25: {  	_ =	swait.ge [sflag:s31], $0x4000  }
0x26: {  	[sflag:s31] =	ssyncset.done $0x0  }
0x27: {  	[sflag:s31] =	ssyncadd.s32 $0xFFFFC000  }
0x28: {  	_ =	swait.ge [sflag:s0], $0x4000  }
0x29: {  	[sflag:s0] =	ssyncset.done $0x0  }
0x2a: {  	[sflag:s0] =	ssyncadd.s32 $0xFFFFC000  }
0x2b: {  	_ =	swait.ge [sflag:s19], $0x4000  }
0x2c: {  	[sflag:s19] =	ssyncset.done $0x0  }
0x2d: {  	[sflag:s19] =	ssyncadd.s32 $0xFFFFC000  }
0x2e: {  	_ =	swait.ge [sflag:s4], $0x4000  }
0x2f: {  	[sflag:s4] =	ssyncset.done $0x0  }
0x30: {  	[sflag:s4] =	ssyncadd.s32 $0xFFFFC000  }
0x31: {  	_ =	swait.ge [sflag:s5], $0x4000  }
0x32: {  	s6 =	sadd.s32 $0x1, s6;
	s15 =	rddreg [dreg:$0x8]  }
0x33: {  	p1 =	sne.s32 s6, s15  }
.Ltmp1:
0x34: {  	_ = 	snop;
	(pc) =	sbr.rel @!p1 .LBB2_5-.Ltmp1, $3  }
0x35: {  	_ =	sdelay $0x1  }
0x36: {  	[sflag:s5] =	ssyncset.done $0x0  }
0x37: {  	[sflag:s5] =	ssyncadd.s32 $0xFFFFC000  }
.LBB2_1:
0x38: {  	s14 =	rddreg [dreg:$0x0]  }
0x39: {  	s7 =	simm.s32 @!p0 $0x1C0D;
	s15 =	rddreg [dreg:$0x9]  }
0x3a: {  	[spmem:s15], [sflag:s7] =	dma.local @!p0 [hbm:s14], $0x16E0  }
0x3b: {  	s7 =	simm.s32 @!p0 $0xD  }
0x3c: {  	_ =	swait.ge @!p0 [sflag:s7], $0x16E0  }
0x3d: {  	[sflag:s7] =	ssyncset.done @!p0 $0x0  }
0x3e: {  	s14 =	simm.s32 $0xD;
	s15 =	rddreg [dreg:$0x5];
	[sflag:s7] =	ssyncadd.s32 @!p0 $0xFFFFE920  }
0x3f: {  	[tilespmem:s3], [sflag:$0xD] =	stream.linear.gather [hbm4b:s15+s3], $0x6400, $0x38;
	[tilespmem:$0x1EF70] =	vst v63  }
0x40: {  	_ =	swait.ge [sflag:s14], $0x6400  }
0x41: {  	[sflag:s14] =	ssyncset.done $0x0  }
0x42: {  	[sflag:s14] =	ssyncadd.s32 $0xFFFF9C00  }
0x43: {  	[bflag:$0x0] =	sbarrier.arrive $0xFFFF  }
0x44: {  	[tilespmem:s17], [sflag:$0x1] =	stream.indirect.gather [spmem:s2], $0x80, s3, s16, $0xb8;
	[tilespmem:$0x1EF70] =	vst v63  }
0x45: {  	_ = 	snop  }
0x46: {  	[tilespmem:s18], [sflag:$0x2] =	stream.indirect.gather [spmem:s2], $0x80, s16, s16, $0xb8;
	[tilespmem:$0x1EF70] =	vst v63  }
0x47: {  	s7 =	simm.s32 $0x200;
	s15 =	simm.s32 $0x100;
	s14 =	simm.s32 $0x0  }
0x48: {  	[tilespmem:s20], [sflag:$0x3] =	stream.indirect.gather [spmem:s2], $0x80, s15, s16, $0xb8;
	[tilespmem:$0x1EF70] =	vst v63  }
.LBB2_2:
0x49: {  	_ =	swait.ge [sflag:s21], $0x4000  }
0x4a: {  	[sflag:s21] =	ssyncset.done $0x0  }
0x4b: {  	s15 =	sadd.s32 s14, s10;
	p1 =	seq.s32 s14, $0x0;
	[sflag:s21] =	ssyncadd.s32 $0xFFFFC000  }
0x4c: {  	[hbm4b:s15+s3] =	stream.linear.scatter [tilespmem:s17], [sflag:$0x7], $0x4000, $0x38;
	[tilespmem:$0x1EF70] =	vst v63  }
0x4d: {  	s15 =	simm.s32 @!p1 $0xA  }
0x4e: {  	_ =	swait.ge @!p1 [sflag:s15], $0x4000  }
0x4f: {  	[sflag:s15] =	ssyncset.done @!p1 $0x0  }
0x50: {  	[sflag:s15] =	ssyncadd.s32 @!p1 $0xFFFFC000;
	s15 =	sadd.s32 $0xFFFFFF80, s7  }
0x51: {  	[tilespmem:s22], [sflag:$0x4] =	stream.indirect.gather [spmem:s2], $0x80, s15, s16, $0xb8;
	[tilespmem:$0x1EF70] =	vst v63  }
0x52: {  	_ =	swait.ge [sflag:s23], $0x4000  }
0x53: {  	[sflag:s23] =	ssyncset.done $0x0  }
0x54: {  	s15 =	sadd.s32 s14, s9;
	[sflag:s23] =	ssyncadd.s32 $0xFFFFC000  }
0x55: {  	[hbm4b:s15+s3] =	stream.linear.scatter [tilespmem:s18], [sflag:$0x8], $0x4000, $0x38;
	[tilespmem:$0x1EF70] =	vst v63  }
0x56: {  	s15 =	simm.s32 @!p1 $0xB  }
0x57: {  	_ =	swait.ge @!p1 [sflag:s15], $0x4000  }
0x58: {  	[sflag:s15] =	ssyncset.done @!p1 $0x0  }
0x59: {  	[sflag:s15] =	ssyncadd.s32 @!p1 $0xFFFFC000  }
0x5a: {  	[tilespmem:s24], [sflag:$0x5] =	stream.indirect.gather [spmem:s2], $0x80, s7, s16, $0xb8;
	[tilespmem:$0x1EF70] =	vst v63  }
0x5b: {  	_ =	swait.ge [sflag:s25], $0x4000  }
0x5c: {  	[sflag:s25] =	ssyncset.done $0x0  }
0x5d: {  	s15 =	sadd.s32 s14, s8;
	[sflag:s25] =	ssyncadd.s32 $0xFFFFC000  }
0x5e: {  	[hbm4b:s15+s3] =	stream.linear.scatter [tilespmem:s20], [sflag:$0x9], $0x4000, $0x38;
	[tilespmem:$0x1EF70] =	vst v63  }
0x5f: {  	s15 =	simm.s32 @!p1 $0xC  }
0x60: {  	_ =	swait.ge @!p1 [sflag:s15], $0x4000  }
0x61: {  	[sflag:s15] =	ssyncset.done @!p1 $0x0  }
0x62: {  	[sflag:s15] =	ssyncadd.s32 @!p1 $0xFFFFC000;
	s15 =	sadd.s32 $0x80, s7  }
0x63: {  	[tilespmem:s26], [sflag:$0x6] =	stream.indirect.gather [spmem:s2], $0x80, s15, s16, $0xb8;
	[tilespmem:$0x1EF70] =	vst v63  }
0x64: {  	_ =	swait.ge [sflag:s28], $0x4000  }
0x65: {  	[sflag:s28] =	ssyncset.done $0x0  }
0x66: {  	s15 =	sadd.s32 s14, s13;
	[sflag:s28] =	ssyncadd.s32 $0xFFFFC000  }
0x67: {  	[hbm4b:s15+s3] =	stream.linear.scatter [tilespmem:s22], [sflag:$0xA], $0x4000, $0x38;
	[tilespmem:$0x1EF70] =	vst v63  }
0x68: {  	_ =	swait.ge [sflag:s29], $0x4000  }
0x69: {  	[sflag:s29] =	ssyncset.done $0x0  }
0x6a: {  	s15 =	sadd.s32 $0x100, s7;
	[sflag:s29] =	ssyncadd.s32 $0xFFFFC000  }
0x6b: {  	[tilespmem:s17], [sflag:$0x1] =	stream.indirect.gather [spmem:s2], $0x80, s15, s16, $0xb8;
	[tilespmem:$0x1EF70] =	vst v63  }
0x6c: {  	_ =	swait.ge [sflag:s30], $0x4000  }
0x6d: {  	[sflag:s30] =	ssyncset.done $0x0  }
0x6e: {  	s15 =	sadd.s32 s14, s12;
	[sflag:s30] =	ssyncadd.s32 $0xFFFFC000  }
0x6f: {  	[hbm4b:s15+s3] =	stream.linear.scatter [tilespmem:s24], [sflag:$0xB], $0x4000, $0x38;
	[tilespmem:$0x1EF70] =	vst v63  }
0x70: {  	_ =	swait.ge [sflag:s31], $0x4000  }
0x71: {  	[sflag:s31] =	ssyncset.done $0x0  }
0x72: {  	p1 =	seq.s32 s14, $0x60000;
	s15 =	sadd.s32 $0x180, s7;
	[sflag:s31] =	ssyncadd.s32 $0xFFFFC000  }
0x73: {  	[tilespmem:s18], [sflag:$0x2] =	stream.indirect.gather [spmem:s2], $0x80, s15, s16, $0xb8;
	[tilespmem:$0x1EF70] =	vst v63  }
.Ltmp2:
0x74: {  	_ = 	snop;
	(pc) =	sbr.rel @p1 .LBB2_4-.Ltmp2, $4  }
0x75: {  	_ =	swait.ge [sflag:s1], $0x4000  }
0x76: {  	[sflag:s1] =	ssyncset.done $0x0  }
0x77: {  	s15 =	sadd.s32 s14, s11;
	[sflag:s1] =	ssyncadd.s32 $0xFFFFC000  }
0x78: {  	[hbm4b:s15+s3] =	stream.linear.scatter [tilespmem:s26], [sflag:$0xC], $0x4000, $0x38;
	[tilespmem:$0x1EF70] =	vst v63  }
.Ltmp3:
0x79: {  	(pc) =	sbr.rel .LBB2_2-.Ltmp3, $4  }
0x7a: {  	_ =	swait.ge [sflag:s0], $0x4000  }
0x7b: {  	s15 =	sadd.s32 $0x200, s7;
	[sflag:s0] =	ssyncset.done $0x0  }
0x7c: {  	s14 =	sadd.s32 $0x3000, s14;
	s7 =	sadd.s32 $0x300, s7;
	[sflag:s0] =	ssyncadd.s32 $0xFFFFC000  }
0x7d: {  	[tilespmem:s20], [sflag:$0x3] =	stream.indirect.gather [spmem:s2], $0x80, s15, s16, $0xb8;
	[tilespmem:$0x1EF70] =	vst v63  }
.LBB2_5:
0x7e: {  	_ =	sfence.sel $0x180000  }
0x7f: {  	[bflag:$0x0] =	sbarrier.arrive $0xFFFF  }
0x80: {  	_ =	strace $0x90000047  }
0x81: {  	[bflag:$0x2] =	sbarrier.arrive $0xFFFF  }
0x82: {  	s0 =	rddreg [dreg:$0x4]  }
0x83: {  	s0 =	sadd.s32 @!p0 $0x100000, s0  }
0x84: {  	[sflag:s0] =	ssyncadd.tile.s32 @!p0 $0x1;
	_ =	shalt  }
.Lfunc_end2:
_tile_overlayer_lowered:
.L_overlay_start_2:
0x85: {  	(tag) =	ssettag $0x2  }
0x86: {  	s0 =	rddreg [dreg:$0x0];
	s2 =	stileid.u32  }
0x87: {  	s1 =	rddreg [dreg:$0x1];
	p0 =	sne.s32 s2, $0x0  }
0x88: {  	s3 =	rddreg [dreg:$0x2];
	[bflag:$0x3] =	sbarrier.arrive $0xFFFF;
	s2 =	simm.s32 @!p0 $0x1C0D  }
0x89: {  	[timem:s3], [sflag:s2] =	dma.local @!p0 [hbm:s0], s1  }
0x8a: {  	s0 =	simm.s32 @!p0 $0xD  }
0x8b: {  	_ =	swait.ge @!p0 [sflag:s0], s1  }
0x8c: {  	s1 =	ssub.s32 @!p0 $0x0, s1;
	[sflag:s0] =	ssyncset.done @!p0 $0x0  }
0x8d: {  	[sflag:s0] =	ssyncadd.s32 @!p0 s1  }
0x8e: {  	[bflag:$0x3] =	sbarrier.arrive $0xFFFF  }
0x8f: {  	_ =	shalt  }

</sc_bundles>
